<compile_context>
chip_gen: v7x
topology: tpu7x:2x2x1
jax: 0.10.2.dev20260603
libtpu: 0.0.44.dev20260713+nightly
codegen_flags: <defaults>
</compile_context>

<pallas_src>
import jax
import jax.numpy as jnp
from jax import lax
from jax.experimental import pallas as pl
from jax.experimental.pallas import tpu as pltpu
from jax.experimental.pallas import tpu_sc as plsc

N_NODES = 10000
D = 128
DH = 64
N_EDGES = 320000
DROP_PROB = 0.3
BN_EPS = 1e-5

TAB_W = 160
TRASH = N_NODES
ACC_R = 10112

NC, NS = 2, 16
E_PER_TILE = 10240
EP = NC * NS * E_PER_TILE
ROWS_PER_TILE = ACC_R // NS

EBLK = 2048
NBLK = E_PER_TILE // EBLK
CHUNKS_PER_BLK = EBLK // 128



def _s1_body(x_ref, wt_ref, tab0_ref, tab1_ref):
    j = pl.program_id(0)
    scale = jnp.where(j < 10, 1.0, 0.5).astype(jnp.float32)
    h = jnp.dot(x_ref[...], wt_ref[...], preferred_element_type=jnp.float32)
    hb = (h * scale).astype(jnp.bfloat16)
    ci = lax.broadcasted_iota(jnp.int32, (1000, TAB_W - D), 1)
    dcol = jnp.where(ci == 0, 1.0, 0.0).astype(jnp.bfloat16)
    tab0_ref[:, 0:D] = hb
    tab0_ref[:, D:TAB_W] = dcol
    tab1_ref[:, 0:D] = hb
    tab1_ref[:, D:TAB_W] = dcol


def _stage1(x, Wt):
    return pl.pallas_call(
        _s1_body,
        grid=(20,),
        in_specs=[
            pl.BlockSpec((1000, D), lambda j: (j % 10, 0)),
            pl.BlockSpec((D, D), lambda j: (0, 0)),
        ],
        out_specs=[pl.BlockSpec((1000, TAB_W), lambda j: (j, 0)),
                   pl.BlockSpec((1000, TAB_W), lambda j: (j, 0))],
        out_shape=[jax.ShapeDtypeStruct((2 * N_NODES, TAB_W), jnp.bfloat16)] * 2,
    )(x, Wt)



NBUF = 5
GLAG = 3
N_CHUNKS = E_PER_TILE // 128


def _s2_body(tab, src, dst, by, u, zeros, out,
             src_v, dst_v, by_v, u_v, gidx_v, sidx_v, rows_v, acc,
             gsem, ssem):
    c = lax.axis_index("c")
    s = lax.axis_index("s")
    base = (s * NC + c) * E_PER_TILE

    rsl = pl.ds(s * ROWS_PER_TILE, ROWS_PER_TILE)
    pltpu.sync_copy(zeros.at[rsl], acc.at[rsl])
    plsc.subcore_barrier()

    thr = jnp.full((16,), DROP_PROB, jnp.float32)
    one = jnp.full((16,), 1, jnp.int32)
    zero = jnp.full((16,), 0, jnp.int32)
    nvec = jnp.full((16,), N_NODES, jnp.int32)
    tvec = jnp.full((16,), TRASH, jnp.int32)

    def gather_desc(j):
        return pltpu.make_async_copy(
            tab.at[c].at[gidx_v.at[j]], rows_v.at[j], gsem.at[j])

    def scatter_start(j):
        pltpu.async_copy(rows_v.at[j], acc.at[sidx_v.at[j]], ssem.at[j],
                         add=True)

    def scatter_desc(j):
        return pltpu.make_async_copy(rows_v.at[j], acc.at[sidx_v.at[j]],
                                     ssem.at[j])

    def chunk(k, carry):
        jb = k % NBUF
        @pl.when(k % CHUNKS_PER_BLK == 0)
        def _():
            boff = pl.multiple_of(base + (k // CHUNKS_PER_BLK) * EBLK, EBLK)
            bsl = pl.ds(boff, EBLK)
            pltpu.sync_copy(src.at[bsl], src_v)
            pltpu.sync_copy(dst.at[bsl], dst_v)
            pltpu.sync_copy(by.at[bsl], by_v)
            pltpu.sync_copy(u.at[bsl], u_v)

        @pl.when(k >= NBUF)
        def _():
            scatter_desc(jb).wait()

        off = (k % CHUNKS_PER_BLK) * 128
        for g in range(8):
            sl = pl.ds(off + g * 16, 16)
            src16 = src_v[sl]
            dst16 = dst_v[sl]
            by16 = by_v[sl]
            di = jnp.where(u_v[sl] < thr, by16, zero)
            ki = one - di
            gidx = src16 + (by16 * ki) * nvec
            sidx = dst16 * ki + tvec * di
            gidx_v[jb, pl.ds(g * 16, 16)] = gidx
            sidx_v[jb, pl.ds(g * 16, 16)] = sidx
        pltpu.async_copy(tab.at[c].at[gidx_v.at[jb]], rows_v.at[jb],
                         gsem.at[jb])

        @pl.when(k >= GLAG)
        def _():
            jp = (k - GLAG) % NBUF
            gather_desc(jp).wait()
            scatter_start(jp)

        return carry

    lax.fori_loop(0, N_CHUNKS, chunk, 0)

    for t in range(N_CHUNKS - GLAG, N_CHUNKS):
        gather_desc(t % NBUF).wait()
        scatter_start(t % NBUF)
    for t in range(N_CHUNKS - NBUF, N_CHUNKS):
        scatter_desc(t % NBUF).wait()

    plsc.subcore_barrier()
    pltpu.sync_copy(acc.at[rsl], out.at[c].at[rsl])


def _stage2(tab, src_p, dst_p, by_p, u_p, zeros):
    mesh = plsc.VectorSubcoreMesh(core_axis_name="c", subcore_axis_name="s",
                                  num_cores=NC, num_subcores=NS)
    k = pl.kernel(
        _s2_body,
        out_type=jax.ShapeDtypeStruct((NC, ACC_R, TAB_W), jnp.bfloat16),
        mesh=mesh,
        compiler_params=pltpu.CompilerParams(use_tc_tiling_on_sc=False),
        scratch_types=[
            pltpu.VMEM((EBLK,), jnp.int32),
            pltpu.VMEM((EBLK,), jnp.int32),
            pltpu.VMEM((EBLK,), jnp.int32),
            pltpu.VMEM((EBLK,), jnp.float32),
            pltpu.VMEM((NBUF, 128), jnp.int32),
            pltpu.VMEM((NBUF, 128), jnp.int32),
            pltpu.VMEM((NBUF, 128, TAB_W), jnp.bfloat16),
            pltpu.VMEM_SHARED((ACC_R, TAB_W), jnp.bfloat16),
            pltpu.SemaphoreType.DMA((NBUF,)),
            pltpu.SemaphoreType.DMA((NBUF,)),
        ],
    )
    return k(tab, src_p, dst_p, by_p, u_p, zeros)



def _s3_body(acc_ref, x_ref, g_ref, b_ref, out_ref):
    a = (acc_ref[0, 0:N_NODES, :].astype(jnp.float32)
         + acc_ref[1, 0:N_NODES, :].astype(jnp.float32))
    ssum = a[:, 0:D]
    deg = jnp.maximum(a[:, D:D + 1], 1.0)
    hres = ssum / deg + x_ref[...]
    n = jnp.float32(N_NODES)
    mean = jnp.sum(hres, axis=0, keepdims=True) / n
    msq = jnp.sum(hres * hres, axis=0, keepdims=True) / n
    var = msq - mean * mean
    inv = lax.rsqrt(var + BN_EPS)
    o = (hres - mean) * inv * g_ref[...] + b_ref[...]
    out_ref[...] = jnp.maximum(o, 0.0)


def _stage3(acc, x, gamma, beta):
    return pl.pallas_call(
        _s3_body,
        out_shape=jax.ShapeDtypeStruct((N_NODES, D), jnp.float32),
    )(acc, x, gamma.reshape(1, D), beta.reshape(1, D))



@jax.jit
def kernel(x, edge_index, biasy_mask, W, gamma, beta):
    rk = jax.random.fold_in(jax.random.key(0), 123)
    u = jax.random.uniform(rk, (N_EDGES,), dtype=jnp.float32)

    dst = edge_index[0]
    src = edge_index[1]
    by = biasy_mask.astype(jnp.int32)

    npad = EP - N_EDGES
    src_p = jnp.concatenate([src, jnp.zeros((npad,), jnp.int32)])
    dst_p = jnp.concatenate([dst, jnp.zeros((npad,), jnp.int32)])
    by_p = jnp.concatenate([by, jnp.ones((npad,), jnp.int32)])
    u_p = jnp.concatenate([u, jnp.zeros((npad,), jnp.float32)])

    tab0, tab1 = _stage1(x, W.T)
    tab = jnp.stack([tab0, tab1])
    zeros = jnp.zeros((ACC_R, TAB_W), jnp.bfloat16)
    acc = _stage2(tab, src_p, dst_p, by_p, u_p, zeros)
    return _stage3(acc, x, gamma, beta)

# --- scband reference (transcript-rebuilt; emitter-appended) ---
"""Pipeline reference for scband-csfconv-71923522338930 (READ-ONLY COPY).

The authoritative reference and input builder live on the scoring server;
editing this copy changes nothing except your own understanding.
"""

import jax, jax.numpy as jnp
import numpy as np

N_NODES = 10000
D = 128
N_EDGES = 320000
DROP_PROB = 0.3
DOWNWEIGHT = 0.5
BN_EPS = 1e-5


def setup_inputs(seed: int = 0) -> dict:
    key = jax.random.key(seed)
    k1, k2, k3, k4 = jax.random.split(key, 4)
    x = jax.random.normal(k1, (N_NODES, D), dtype=jnp.float32)
    edge_index = jax.random.randint(k2, (2, N_EDGES), 0, N_NODES, dtype=jnp.int32)
    biasy_mask = jax.random.randint(k3, (N_EDGES,), 0, 2, dtype=jnp.int32) == 1
    # learned parameters
    W = jax.random.normal(k4, (D, D), dtype=jnp.float32) * 0.05  # lin.weight [out_dim, in_dim]
    gamma = jnp.ones((D,), dtype=jnp.float32)  # bn.weight
    beta = jnp.zeros((D,), dtype=jnp.float32)  # bn.bias
    return {"x": x, "edge_index": edge_index, "biasy_mask": biasy_mask, "W": W, "gamma": gamma, "beta": beta}


def reference(x, edge_index, biasy_mask, W, gamma, beta):
    N = x.shape[0]
    M = edge_index.shape[1]
    h_in = x
    h = x @ W.T  # lin (no bias)
    # stochastic biased-edge dropping with a fixed key (deterministic)
    rk = jax.random.fold_in(jax.random.key(0), 123)
    u = jax.random.uniform(rk, (M,), dtype=jnp.float32)
    drops = (u < DROP_PROB) & biasy_mask
    keep = ~drops
    keep_f = keep.astype(jnp.float32)
    # kept biasy edges get downweight, other kept edges weight 1, dropped edges 0
    ew = jnp.where(biasy_mask, DOWNWEIGHT, 1.0) * keep_f
    dst = edge_index[0]
    src = edge_index[1]
    x_j = h[src]                       # gather
    msgs = ew[:, None] * x_j
    out = jnp.zeros_like(h).at[dst].add(msgs)   # scatter-add (index_add_)
    # mean aggregation: degree counts only kept edges (equivalent to filtering)
    deg = jnp.zeros((N,), dtype=jnp.float32).at[dst].add(keep_f)
    deg = jnp.maximum(deg, 1.0)
    out = out / deg[:, None]
    # residual (in_dim == out_dim -> identity residual)
    hres = out + h_in
    # BatchNorm1d, training-mode batch statistics (biased variance)
    mean = jnp.mean(hres, axis=0)
    var = jnp.var(hres, axis=0)
    hbn = (hres - mean) / jnp.sqrt(var + BN_EPS) * gamma + beta
    # dropout treated as identity (eval)
    return jax.nn.relu(hbn)

if __name__ == "__main__":
    import jax
    _d = setup_inputs()
    print(jax.jit(kernel)(*tuple(_d.values())))

</pallas_src>

<mosaic_0001>
#map = affine_map<(d0, d1) -> (0, 0, 0)>
#map1 = affine_map<(d0, d1) -> (0)>
#map2 = affine_map<(d0, d1) -> (0, 0)>
module attributes {stable_mosaic.version = 14 : i64} {
  func.func @_s2_body(%arg0: i32, %arg1: i32, %arg2: memref<2x20000x160xbf16, #tpu.memory_space<hbm>>, %arg3: memref<327680xi32, #tpu.memory_space<hbm>>, %arg4: memref<327680xi32, #tpu.memory_space<hbm>>, %arg5: memref<327680xi32, #tpu.memory_space<hbm>>, %arg6: memref<327680xf32, #tpu.memory_space<hbm>>, %arg7: memref<10112x160xbf16, #tpu.memory_space<hbm>>, %arg8: memref<2x10112x160xbf16, #tpu.memory_space<hbm>>, %arg9: memref<2048xi32, #tpu.memory_space<vmem>>, %arg10: memref<2048xi32, #tpu.memory_space<vmem>>, %arg11: memref<2048xi32, #tpu.memory_space<vmem>>, %arg12: memref<2048xf32, #tpu.memory_space<vmem>>, %arg13: memref<5x128xi32, #tpu.memory_space<vmem>>, %arg14: memref<5x128xi32, #tpu.memory_space<vmem>>, %arg15: memref<5x128x160xbf16, #tpu.memory_space<vmem>>, %arg16: memref<10112x160xbf16, #tpu.memory_space<vmem_shared>>, %arg17: memref<5x!tpu.dma_semaphore, #tpu.memory_space<semaphore_mem>>, %arg18: memref<5x!tpu.dma_semaphore, #tpu.memory_space<semaphore_mem>>) attributes {dimension_semantics = [#tpu.dimension_semantics<core_parallel>, #tpu.dimension_semantics<subcore_parallel>], iteration_bounds = array<i64: 2, 16>, scalar_prefetch = 0 : i64, scratch_operands = 10 : i64, tpu.core_type = #tpu.core_type<sc_vector_subcore>, window_params = [{transform_indices = #map}, {transform_indices = #map1}, {transform_indices = #map1}, {transform_indices = #map1}, {transform_indices = #map1}, {transform_indices = #map2}, {transform_indices = #map}]} {
    %mul3A = arith.constant 2 : i32
    %mul3A_0 = arith.muli %arg1, %mul3A : i32
    %add3A = arith.addi %mul3A_0, %arg0 : i32
    %mul3A_1 = arith.constant 10240 : i32
    %mul3A_2 = arith.muli %add3A, %mul3A_1 : i32
    %mul3A_3 = arith.constant 632 : i32
    %mul3A_4 = arith.muli %arg1, %mul3A_3 : i32
    "tpu.region"() ({
      %run_scoped3A = tpu.sem_alloc : memref<!tpu.dma_semaphore, #tpu.memory_space<semaphore_mem>>
      %dma_start3A_195 = arith.constant 0 : i32
      %dma_start3A_196 = tpu.memref_slice %arg16[%mul3A_4, %dma_start3A_195] : memref<10112x160xbf16, #tpu.memory_space<vmem_shared>> -> memref<632x160xbf16, #tpu.memory_space<vmem_shared>>
      %dma_start3A_197 = arith.constant 0 : i32
      %dma_start3A_198 = tpu.memref_slice %arg7[%mul3A_4, %dma_start3A_197] : memref<10112x160xbf16, #tpu.memory_space<hbm>> -> memref<632x160xbf16, #tpu.memory_space<hbm>>
      tpu.enqueue_dma source(%dma_start3A_198 : memref<632x160xbf16, #tpu.memory_space<hbm>>) target(%dma_start3A_196 : memref<632x160xbf16, #tpu.memory_space<vmem_shared>>) target_semaphore(%run_scoped3A : memref<!tpu.dma_semaphore, #tpu.memory_space<semaphore_mem>>)
      %dma_wait3A_199 = arith.constant 0 : i32
      %dma_wait3A_200 = tpu.memref_slice %arg16[%mul3A_4, %dma_wait3A_199] : memref<10112x160xbf16, #tpu.memory_space<vmem_shared>> -> memref<632x160xbf16, #tpu.memory_space<vmem_shared>>
      %dma_wait3A_201 = arith.constant 0 : i32
      %dma_wait3A_202 = tpu.memref_slice %arg7[%mul3A_4, %dma_wait3A_201] : memref<10112x160xbf16, #tpu.memory_space<hbm>> -> memref<632x160xbf16, #tpu.memory_space<hbm>>
      tpu.wait_dma2 semaphore(%run_scoped3A : memref<!tpu.dma_semaphore, #tpu.memory_space<semaphore_mem>>) src(%dma_wait3A_202 : memref<632x160xbf16, #tpu.memory_space<hbm>>) dst(%dma_wait3A_200 : memref<632x160xbf16, #tpu.memory_space<vmem_shared>>)
      tpu.yield
    }) : () -> ()
    %barrier3A = arith.constant 0 : index
    tpu.barrier barrier_id(%barrier3A)
    %broadcast_in_dim3A = arith.constant 3.000000e-01 : f32
    %broadcast_in_dim3A_5 = vector.broadcast %broadcast_in_dim3A : f32 to vector<16xf32>
    %broadcast_in_dim3A_6 = arith.constant 1 : i32
    %broadcast_in_dim3A_7 = vector.broadcast %broadcast_in_dim3A_6 : i32 to vector<16xi32>
    %broadcast_in_dim3A_8 = arith.constant 0 : i32
    %broadcast_in_dim3A_9 = vector.broadcast %broadcast_in_dim3A_8 : i32 to vector<16xi32>
    %broadcast_in_dim3A_10 = arith.constant 10000 : i32
    %broadcast_in_dim3A_11 = vector.broadcast %broadcast_in_dim3A_10 : i32 to vector<16xi32>
    %broadcast_in_dim3A_12 = arith.constant 10000 : i32
    %broadcast_in_dim3A_13 = vector.broadcast %broadcast_in_dim3A_12 : i32 to vector<16xi32>
    %scan3A = arith.constant 0 : i32
    %scan3A_14 = arith.constant 0 : i32
    %scan3A_15 = arith.constant 80 : i32
    %scan3A_16 = arith.addi %scan3A_14, %scan3A_15 : i32
    %scan3A_17 = arith.constant 1 : i32
    scf.for %scan3A_195 = %scan3A_14 to %scan3A_16 step %scan3A_17  : i32 {
      %jit3A = arith.constant 5 : i32
      %eq3A = arith.constant 0 : i32
      %eq3A_196 = arith.cmpi eq, %jit3A, %eq3A : i32
      %jit3A_197 = arith.constant 1 : i32
      %select_n3A = arith.select %eq3A_196, %jit3A_197, %jit3A : i32
      %rem3A = arith.remsi %scan3A_195, %select_n3A : i32
      %ne3A = arith.constant 0 : i32
      %ne3A_198 = arith.cmpi ne, %rem3A, %ne3A : i32
      %lt3A = arith.constant 0 : i32
      %lt3A_199 = arith.cmpi slt, %rem3A, %lt3A : i32
      %lt3A_200 = arith.constant 0 : i32
      %lt3A_201 = arith.cmpi slt, %select_n3A, %lt3A_200 : i32
      %ne3A_202 = arith.xori %lt3A_199, %lt3A_201 : i1
      %and3A = arith.andi %ne3A_202, %ne3A_198 : i1
      %add3A_203 = arith.addi %rem3A, %select_n3A : i32
      %select_n3A_204 = arith.select %and3A, %add3A_203, %rem3A : i32
      %jit3A_205 = arith.constant 16 : i32
      %eq3A_206 = arith.constant 0 : i32
      %eq3A_207 = arith.cmpi eq, %jit3A_205, %eq3A_206 : i32
      %jit3A_208 = arith.constant 1 : i32
      %select_n3A_209 = arith.select %eq3A_207, %jit3A_208, %jit3A_205 : i32
      %rem3A_210 = arith.remsi %scan3A_195, %select_n3A_209 : i32
      %ne3A_211 = arith.constant 0 : i32
      %ne3A_212 = arith.cmpi ne, %rem3A_210, %ne3A_211 : i32
      %lt3A_213 = arith.constant 0 : i32
      %lt3A_214 = arith.cmpi slt, %rem3A_210, %lt3A_213 : i32
      %lt3A_215 = arith.constant 0 : i32
      %lt3A_216 = arith.cmpi slt, %select_n3A_209, %lt3A_215 : i32
      %ne3A_217 = arith.xori %lt3A_214, %lt3A_216 : i1
      %and3A_218 = arith.andi %ne3A_217, %ne3A_212 : i1
      %add3A_219 = arith.addi %rem3A_210, %select_n3A_209 : i32
      %select_n3A_220 = arith.select %and3A_218, %add3A_219, %rem3A_210 : i32
      %eq3A_221 = arith.constant 0 : i32
      %eq3A_222 = arith.cmpi eq, %select_n3A_220, %eq3A_221 : i32
      %convert_element_type3A = arith.extui %eq3A_222 : i1 to i32
      %cond3A = arith.constant 0 : i32
      %cond3A_223 = arith.cmpi ne, %convert_element_type3A, %cond3A : i32
      scf.if %cond3A_223 {
        %jit3A_528 = arith.constant 16 : i32
        %div3A = arith.divsi %scan3A_195, %jit3A_528 : i32
        %sign3A = arith.constant 0 : i32
        %sign3A_529 = arith.cmpi sgt, %scan3A_195, %sign3A : i32
        %sign3A_530 = arith.extui %sign3A_529 : i1 to i32
        %sign3A_531 = arith.constant 0 : i32
        %sign3A_532 = arith.cmpi slt, %scan3A_195, %sign3A_531 : i32
        %sign3A_533 = arith.extui %sign3A_532 : i1 to i32
        %sign3A_534 = arith.subi %sign3A_530, %sign3A_533 : i32
        %sign3A_535 = arith.constant 0 : i32
        %sign3A_536 = arith.cmpi sgt, %jit3A_528, %sign3A_535 : i32
        %sign3A_537 = arith.extui %sign3A_536 : i1 to i32
        %sign3A_538 = arith.constant 0 : i32
        %sign3A_539 = arith.cmpi slt, %jit3A_528, %sign3A_538 : i32
        %sign3A_540 = arith.extui %sign3A_539 : i1 to i32
        %sign3A_541 = arith.subi %sign3A_537, %sign3A_540 : i32
        %ne3A_542 = arith.cmpi ne, %sign3A_534, %sign3A_541 : i32
        %rem3A_543 = arith.remsi %scan3A_195, %jit3A_528 : i32
        %ne3A_544 = arith.constant 0 : i32
        %ne3A_545 = arith.cmpi ne, %rem3A_543, %ne3A_544 : i32
        %and3A_546 = arith.andi %ne3A_542, %ne3A_545 : i1
        %sub3A_547 = arith.constant 1 : i32
        %sub3A_548 = arith.subi %div3A, %sub3A_547 : i32
        %select_n3A_549 = arith.select %and3A_546, %sub3A_548, %div3A : i32
        %mul3A_550 = arith.constant 2048 : i32
        %mul3A_551 = arith.muli %select_n3A_549, %mul3A_550 : i32
        %add3A_552 = arith.addi %mul3A_2, %mul3A_551 : i32
        %multiple_of3A = tpu.assume_multiple %add3A_552, 2048 : i32
        "tpu.region"() ({
          %run_scoped3A = tpu.sem_alloc : memref<!tpu.dma_semaphore, #tpu.memory_space<semaphore_mem>>
          %dma_start3A_553 = tpu.memref_slice %arg3[%multiple_of3A] : memref<327680xi32, #tpu.memory_space<hbm>> -> memref<2048xi32, #tpu.memory_space<hbm>>
          %dma_start3A_554 = tpu.memref_slice %arg3[%multiple_of3A] : memref<327680xi32, #tpu.memory_space<hbm>> -> memref<2048xi32, #tpu.memory_space<hbm>>
          tpu.enqueue_dma source(%dma_start3A_554 : memref<2048xi32, #tpu.memory_space<hbm>>) target(%arg9 : memref<2048xi32, #tpu.memory_space<vmem>>) target_semaphore(%run_scoped3A : memref<!tpu.dma_semaphore, #tpu.memory_space<semaphore_mem>>)
          %dma_wait3A_555 = tpu.memref_slice %arg3[%multiple_of3A] : memref<327680xi32, #tpu.memory_space<hbm>> -> memref<2048xi32, #tpu.memory_space<hbm>>
          %dma_wait3A_556 = tpu.memref_slice %arg3[%multiple_of3A] : memref<327680xi32, #tpu.memory_space<hbm>> -> memref<2048xi32, #tpu.memory_space<hbm>>
          tpu.wait_dma2 semaphore(%run_scoped3A : memref<!tpu.dma_semaphore, #tpu.memory_space<semaphore_mem>>) src(%dma_wait3A_556 : memref<2048xi32, #tpu.memory_space<hbm>>) dst(%arg9 : memref<2048xi32, #tpu.memory_space<vmem>>)
          tpu.yield
        }) : () -> ()
        "tpu.region"() ({
          %run_scoped3A = tpu.sem_alloc : memref<!tpu.dma_semaphore, #tpu.memory_space<semaphore_mem>>
          %dma_start3A_553 = tpu.memref_slice %arg4[%multiple_of3A] : memref<327680xi32, #tpu.memory_space<hbm>> -> memref<2048xi32, #tpu.memory_space<hbm>>
          %dma_start3A_554 = tpu.memref_slice %arg4[%multiple_of3A] : memref<327680xi32, #tpu.memory_space<hbm>> -> memref<2048xi32, #tpu.memory_space<hbm>>
          tpu.enqueue_dma source(%dma_start3A_554 : memref<2048xi32, #tpu.memory_space<hbm>>) target(%arg10 : memref<2048xi32, #tpu.memory_space<vmem>>) target_semaphore(%run_scoped3A : memref<!tpu.dma_semaphore, #tpu.memory_space<semaphore_mem>>)
          %dma_wait3A_555 = tpu.memref_slice %arg4[%multiple_of3A] : memref<327680xi32, #tpu.memory_space<hbm>> -> memref<2048xi32, #tpu.memory_space<hbm>>
          %dma_wait3A_556 = tpu.memref_slice %arg4[%multiple_of3A] : memref<327680xi32, #tpu.memory_space<hbm>> -> memref<2048xi32, #tpu.memory_space<hbm>>
          tpu.wait_dma2 semaphore(%run_scoped3A : memref<!tpu.dma_semaphore, #tpu.memory_space<semaphore_mem>>) src(%dma_wait3A_556 : memref<2048xi32, #tpu.memory_space<hbm>>) dst(%arg10 : memref<2048xi32, #tpu.memory_space<vmem>>)
          tpu.yield
        }) : () -> ()
        "tpu.region"() ({
          %run_scoped3A = tpu.sem_alloc : memref<!tpu.dma_semaphore, #tpu.memory_space<semaphore_mem>>
          %dma_start3A_553 = tpu.memref_slice %arg5[%multiple_of3A] : memref<327680xi32, #tpu.memory_space<hbm>> -> memref<2048xi32, #tpu.memory_space<hbm>>
          %dma_start3A_554 = tpu.memref_slice %arg5[%multiple_of3A] : memref<327680xi32, #tpu.memory_space<hbm>> -> memref<2048xi32, #tpu.memory_space<hbm>>
          tpu.enqueue_dma source(%dma_start3A_554 : memref<2048xi32, #tpu.memory_space<hbm>>) target(%arg11 : memref<2048xi32, #tpu.memory_space<vmem>>) target_semaphore(%run_scoped3A : memref<!tpu.dma_semaphore, #tpu.memory_space<semaphore_mem>>)
          %dma_wait3A_555 = tpu.memref_slice %arg5[%multiple_of3A] : memref<327680xi32, #tpu.memory_space<hbm>> -> memref<2048xi32, #tpu.memory_space<hbm>>
          %dma_wait3A_556 = tpu.memref_slice %arg5[%multiple_of3A] : memref<327680xi32, #tpu.memory_space<hbm>> -> memref<2048xi32, #tpu.memory_space<hbm>>
          tpu.wait_dma2 semaphore(%run_scoped3A : memref<!tpu.dma_semaphore, #tpu.memory_space<semaphore_mem>>) src(%dma_wait3A_556 : memref<2048xi32, #tpu.memory_space<hbm>>) dst(%arg11 : memref<2048xi32, #tpu.memory_space<vmem>>)
          tpu.yield
        }) : () -> ()
        "tpu.region"() ({
          %run_scoped3A = tpu.sem_alloc : memref<!tpu.dma_semaphore, #tpu.memory_space<semaphore_mem>>
          %dma_start3A_553 = tpu.memref_slice %arg6[%multiple_of3A] : memref<327680xf32, #tpu.memory_space<hbm>> -> memref<2048xf32, #tpu.memory_space<hbm>>
          %dma_start3A_554 = tpu.memref_slice %arg6[%multiple_of3A] : memref<327680xf32, #tpu.memory_space<hbm>> -> memref<2048xf32, #tpu.memory_space<hbm>>
          tpu.enqueue_dma source(%dma_start3A_554 : memref<2048xf32, #tpu.memory_space<hbm>>) target(%arg12 : memref<2048xf32, #tpu.memory_space<vmem>>) target_semaphore(%run_scoped3A : memref<!tpu.dma_semaphore, #tpu.memory_space<semaphore_mem>>)
          %dma_wait3A_555 = tpu.memref_slice %arg6[%multiple_of3A] : memref<327680xf32, #tpu.memory_space<hbm>> -> memref<2048xf32, #tpu.memory_space<hbm>>
          %dma_wait3A_556 = tpu.memref_slice %arg6[%multiple_of3A] : memref<327680xf32, #tpu.memory_space<hbm>> -> memref<2048xf32, #tpu.memory_space<hbm>>
          tpu.wait_dma2 semaphore(%run_scoped3A : memref<!tpu.dma_semaphore, #tpu.memory_space<semaphore_mem>>) src(%dma_wait3A_556 : memref<2048xf32, #tpu.memory_space<hbm>>) dst(%arg12 : memref<2048xf32, #tpu.memory_space<vmem>>)
          tpu.yield
        }) : () -> ()
      } else {
      }
      %ge3A = arith.constant 5 : i32
      %ge3A_224 = arith.cmpi sge, %scan3A_195, %ge3A : i32
      %convert_element_type3A_225 = arith.extui %ge3A_224 : i1 to i32
      %cond3A_226 = arith.constant 0 : i32
      %cond3A_227 = arith.cmpi ne, %convert_element_type3A_225, %cond3A_226 : i32
      scf.if %cond3A_227 {
        %dma_wait3A_528 = arith.constant 0 : i32
        %dma_wait3A_529 = arith.constant 0 : i32
        %dma_wait3A_530 = tpu.memref_slice %arg15[%select_n3A_204, %dma_wait3A_528, %dma_wait3A_529] : memref<5x128x160xbf16, #tpu.memory_space<vmem>> -> memref<1x128x160xbf16, #tpu.memory_space<vmem>>
        %dma_wait3A_531 = tpu.memref_squeeze %dma_wait3A_530 : memref<1x128x160xbf16, #tpu.memory_space<vmem>> -> memref<128x160xbf16, #tpu.memory_space<vmem>>
        %dma_wait3A_532 = arith.constant 0 : i32
        %dma_wait3A_533 = tpu.memref_slice %arg14[%select_n3A_204, %dma_wait3A_532] : memref<5x128xi32, #tpu.memory_space<vmem>> -> memref<1x128xi32, #tpu.memory_space<vmem>>
        %dma_wait3A_534 = tpu.memref_squeeze %dma_wait3A_533 : memref<1x128xi32, #tpu.memory_space<vmem>> -> memref<128xi32, #tpu.memory_space<vmem>>
        %dma_wait3A_535 = arith.constant 0 : i32
        %dma_wait3A_536 = arith.constant 0 : i32
        %dma_wait3A_537 = tpu.memref_slice %arg16[%dma_wait3A_535, %dma_wait3A_536] : memref<10112x160xbf16, #tpu.memory_space<vmem_shared>> -> memref<10112x160xbf16, #tpu.memory_space<vmem_shared>>
        %dma_wait3A_538 = tpu.memref_slice %arg18[%select_n3A_204] : memref<5x!tpu.dma_semaphore, #tpu.memory_space<semaphore_mem>> -> memref<1x!tpu.dma_semaphore, #tpu.memory_space<semaphore_mem>>
        %dma_wait3A_539 = tpu.memref_squeeze %dma_wait3A_538 : memref<1x!tpu.dma_semaphore, #tpu.memory_space<semaphore_mem>> -> memref<!tpu.dma_semaphore, #tpu.memory_space<semaphore_mem>>
        tpu.wait_indirect_dma semaphore(%dma_wait3A_539 : memref<!tpu.dma_semaphore, #tpu.memory_space<semaphore_mem>>) src(%dma_wait3A_531 : memref<128x160xbf16, #tpu.memory_space<vmem>>) dst(%dma_wait3A_537 : memref<10112x160xbf16, #tpu.memory_space<vmem_shared>>)
      } else {
      }
      %jit3A_228 = arith.constant 16 : i32
      %eq3A_229 = arith.constant 0 : i32
      %eq3A_230 = arith.cmpi eq, %jit3A_228, %eq3A_229 : i32
      %jit3A_231 = arith.constant 1 : i32
      %select_n3A_232 = arith.select %eq3A_230, %jit3A_231, %jit3A_228 : i32
      %rem3A_233 = arith.remsi %scan3A_195, %select_n3A_232 : i32
      %ne3A_234 = arith.constant 0 : i32
      %ne3A_235 = arith.cmpi ne, %rem3A_233, %ne3A_234 : i32
      %lt3A_236 = arith.constant 0 : i32
      %lt3A_237 = arith.cmpi slt, %rem3A_233, %lt3A_236 : i32
      %lt3A_238 = arith.constant 0 : i32
      %lt3A_239 = arith.cmpi slt, %select_n3A_232, %lt3A_238 : i32
      %ne3A_240 = arith.xori %lt3A_237, %lt3A_239 : i1
      %and3A_241 = arith.andi %ne3A_240, %ne3A_235 : i1
      %add3A_242 = arith.addi %rem3A_233, %select_n3A_232 : i32
      %select_n3A_243 = arith.select %and3A_241, %add3A_242, %rem3A_233 : i32
      %mul3A_244 = arith.constant 128 : i32
      %mul3A_245 = arith.muli %select_n3A_243, %mul3A_244 : i32
      %add3A_246 = arith.constant 0 : i32
      %add3A_247 = arith.addi %mul3A_245, %add3A_246 : i32
      %get3A = arith.index_cast %add3A_247 : i32 to index
      %get3A_248 = tpu.vector_load %arg9[%get3A] {strides = array<i32>} : memref<2048xi32, #tpu.memory_space<vmem>>, vector<16xi32>,
      %get3A_249 = vector.shape_cast %get3A_248 : vector<16xi32> to vector<16xi32>
      %get3A_250 = arith.index_cast %add3A_247 : i32 to index
      %get3A_251 = tpu.vector_load %arg10[%get3A_250] {strides = array<i32>} : memref<2048xi32, #tpu.memory_space<vmem>>, vector<16xi32>,
      %get3A_252 = vector.shape_cast %get3A_251 : vector<16xi32> to vector<16xi32>
      %get3A_253 = arith.index_cast %add3A_247 : i32 to index
      %get3A_254 = tpu.vector_load %arg11[%get3A_253] {strides = array<i32>} : memref<2048xi32, #tpu.memory_space<vmem>>, vector<16xi32>,
      %get3A_255 = vector.shape_cast %get3A_254 : vector<16xi32> to vector<16xi32>
      %get3A_256 = arith.index_cast %add3A_247 : i32 to index
      %get3A_257 = tpu.vector_load %arg12[%get3A_256] {strides = array<i32>} : memref<2048xf32, #tpu.memory_space<vmem>>, vector<16xf32>,
      %get3A_258 = vector.shape_cast %get3A_257 : vector<16xf32> to vector<16xf32>
      %lt3A_259 = arith.cmpf olt, %get3A_258, %broadcast_in_dim3A_5 : vector<16xf32>
      %select_n3A_260 = arith.select %lt3A_259, %get3A_255, %broadcast_in_dim3A_9 : vector<16xi1>, vector<16xi32>
      %sub3A = arith.subi %broadcast_in_dim3A_7, %select_n3A_260 : vector<16xi32>
      %mul3A_261 = arith.muli %get3A_255, %sub3A : vector<16xi32>
      %mul3A_262 = arith.muli %mul3A_261, %broadcast_in_dim3A_11 : vector<16xi32>
      %add3A_263 = arith.addi %get3A_249, %mul3A_262 : vector<16xi32>
      %mul3A_264 = arith.muli %get3A_252, %sub3A : vector<16xi32>
      %mul3A_265 = arith.muli %broadcast_in_dim3A_13, %select_n3A_260 : vector<16xi32>
      %add3A_266 = arith.addi %mul3A_264, %mul3A_265 : vector<16xi32>
      %swap3A = arith.index_cast %select_n3A_204 : i32 to index
      %swap3A_267 = arith.constant 0 : index
      %swap3A_268 = tpu.vector_load %arg13[%swap3A, %swap3A_267] {strides = array<i32>} : memref<5x128xi32, #tpu.memory_space<vmem>>, vector<1x16xi32>,
      %swap3A_269 = vector.shape_cast %swap3A_268 : vector<1x16xi32> to vector<16xi32>
      %swap3A_270 = vector.shape_cast %add3A_263 : vector<16xi32> to vector<1x16xi32>
      tpu.vector_store %arg13[%swap3A, %swap3A_267], %swap3A_270 {strides = array<i32>} : memref<5x128xi32, #tpu.memory_space<vmem>>, vector<1x16xi32>,
      %swap3A_271 = arith.index_cast %select_n3A_204 : i32 to index
      %swap3A_272 = arith.constant 0 : index
      %swap3A_273 = tpu.vector_load %arg14[%swap3A_271, %swap3A_272] {strides = array<i32>} : memref<5x128xi32, #tpu.memory_space<vmem>>, vector<1x16xi32>,
      %swap3A_274 = vector.shape_cast %swap3A_273 : vector<1x16xi32> to vector<16xi32>
      %swap3A_275 = vector.shape_cast %add3A_266 : vector<16xi32> to vector<1x16xi32>
      tpu.vector_store %arg14[%swap3A_271, %swap3A_272], %swap3A_275 {strides = array<i32>} : memref<5x128xi32, #tpu.memory_space<vmem>>, vector<1x16xi32>,
      %add3A_276 = arith.constant 16 : i32
      %add3A_277 = arith.addi %mul3A_245, %add3A_276 : i32
      %get3A_278 = arith.index_cast %add3A_277 : i32 to index
      %get3A_279 = tpu.vector_load %arg9[%get3A_278] {strides = array<i32>} : memref<2048xi32, #tpu.memory_space<vmem>>, vector<16xi32>,
      %get3A_280 = vector.shape_cast %get3A_279 : vector<16xi32> to vector<16xi32>
      %get3A_281 = arith.index_cast %add3A_277 : i32 to index
      %get3A_282 = tpu.vector_load %arg10[%get3A_281] {strides = array<i32>} : memref<2048xi32, #tpu.memory_space<vmem>>, vector<16xi32>,
      %get3A_283 = vector.shape_cast %get3A_282 : vector<16xi32> to vector<16xi32>
      %get3A_284 = arith.index_cast %add3A_277 : i32 to index
      %get3A_285 = tpu.vector_load %arg11[%get3A_284] {strides = array<i32>} : memref<2048xi32, #tpu.memory_space<vmem>>, vector<16xi32>,
      %get3A_286 = vector.shape_cast %get3A_285 : vector<16xi32> to vector<16xi32>
      %get3A_287 = arith.index_cast %add3A_277 : i32 to index
      %get3A_288 = tpu.vector_load %arg12[%get3A_287] {strides = array<i32>} : memref<2048xf32, #tpu.memory_space<vmem>>, vector<16xf32>,
      %get3A_289 = vector.shape_cast %get3A_288 : vector<16xf32> to vector<16xf32>
      %lt3A_290 = arith.cmpf olt, %get3A_289, %broadcast_in_dim3A_5 : vector<16xf32>
      %select_n3A_291 = arith.select %lt3A_290, %get3A_286, %broadcast_in_dim3A_9 : vector<16xi1>, vector<16xi32>
      %sub3A_292 = arith.subi %broadcast_in_dim3A_7, %select_n3A_291 : vector<16xi32>
      %mul3A_293 = arith.muli %get3A_286, %sub3A_292 : vector<16xi32>
      %mul3A_294 = arith.muli %mul3A_293, %broadcast_in_dim3A_11 : vector<16xi32>
      %add3A_295 = arith.addi %get3A_280, %mul3A_294 : vector<16xi32>
      %mul3A_296 = arith.muli %get3A_283, %sub3A_292 : vector<16xi32>
      %mul3A_297 = arith.muli %broadcast_in_dim3A_13, %select_n3A_291 : vector<16xi32>
      %add3A_298 = arith.addi %mul3A_296, %mul3A_297 : vector<16xi32>
      %swap3A_299 = arith.index_cast %select_n3A_204 : i32 to index
      %swap3A_300 = arith.constant 16 : index
      %swap3A_301 = tpu.vector_load %arg13[%swap3A_299, %swap3A_300] {strides = array<i32>} : memref<5x128xi32, #tpu.memory_space<vmem>>, vector<1x16xi32>,
      %swap3A_302 = vector.shape_cast %swap3A_301 : vector<1x16xi32> to vector<16xi32>
      %swap3A_303 = vector.shape_cast %add3A_295 : vector<16xi32> to vector<1x16xi32>
      tpu.vector_store %arg13[%swap3A_299, %swap3A_300], %swap3A_303 {strides = array<i32>} : memref<5x128xi32, #tpu.memory_space<vmem>>, vector<1x16xi32>,
      %swap3A_304 = arith.index_cast %select_n3A_204 : i32 to index
      %swap3A_305 = arith.constant 16 : index
      %swap3A_306 = tpu.vector_load %arg14[%swap3A_304, %swap3A_305] {strides = array<i32>} : memref<5x128xi32, #tpu.memory_space<vmem>>, vector<1x16xi32>,
      %swap3A_307 = vector.shape_cast %swap3A_306 : vector<1x16xi32> to vector<16xi32>
      %swap3A_308 = vector.shape_cast %add3A_298 : vector<16xi32> to vector<1x16xi32>
      tpu.vector_store %arg14[%swap3A_304, %swap3A_305], %swap3A_308 {strides = array<i32>} : memref<5x128xi32, #tpu.memory_space<vmem>>, vector<1x16xi32>,
      %add3A_309 = arith.constant 32 : i32
      %add3A_310 = arith.addi %mul3A_245, %add3A_309 : i32
      %get3A_311 = arith.index_cast %add3A_310 : i32 to index
      %get3A_312 = tpu.vector_load %arg9[%get3A_311] {strides = array<i32>} : memref<2048xi32, #tpu.memory_space<vmem>>, vector<16xi32>,
      %get3A_313 = vector.shape_cast %get3A_312 : vector<16xi32> to vector<16xi32>
      %get3A_314 = arith.index_cast %add3A_310 : i32 to index
      %get3A_315 = tpu.vector_load %arg10[%get3A_314] {strides = array<i32>} : memref<2048xi32, #tpu.memory_space<vmem>>, vector<16xi32>,
      %get3A_316 = vector.shape_cast %get3A_315 : vector<16xi32> to vector<16xi32>
      %get3A_317 = arith.index_cast %add3A_310 : i32 to index
      %get3A_318 = tpu.vector_load %arg11[%get3A_317] {strides = array<i32>} : memref<2048xi32, #tpu.memory_space<vmem>>, vector<16xi32>,
      %get3A_319 = vector.shape_cast %get3A_318 : vector<16xi32> to vector<16xi32>
      %get3A_320 = arith.index_cast %add3A_310 : i32 to index
      %get3A_321 = tpu.vector_load %arg12[%get3A_320] {strides = array<i32>} : memref<2048xf32, #tpu.memory_space<vmem>>, vector<16xf32>,
      %get3A_322 = vector.shape_cast %get3A_321 : vector<16xf32> to vector<16xf32>
      %lt3A_323 = arith.cmpf olt, %get3A_322, %broadcast_in_dim3A_5 : vector<16xf32>
      %select_n3A_324 = arith.select %lt3A_323, %get3A_319, %broadcast_in_dim3A_9 : vector<16xi1>, vector<16xi32>
      %sub3A_325 = arith.subi %broadcast_in_dim3A_7, %select_n3A_324 : vector<16xi32>
      %mul3A_326 = arith.muli %get3A_319, %sub3A_325 : vector<16xi32>
      %mul3A_327 = arith.muli %mul3A_326, %broadcast_in_dim3A_11 : vector<16xi32>
      %add3A_328 = arith.addi %get3A_313, %mul3A_327 : vector<16xi32>
      %mul3A_329 = arith.muli %get3A_316, %sub3A_325 : vector<16xi32>
      %mul3A_330 = arith.muli %broadcast_in_dim3A_13, %select_n3A_324 : vector<16xi32>
      %add3A_331 = arith.addi %mul3A_329, %mul3A_330 : vector<16xi32>
      %swap3A_332 = arith.index_cast %select_n3A_204 : i32 to index
      %swap3A_333 = arith.constant 32 : index
      %swap3A_334 = tpu.vector_load %arg13[%swap3A_332, %swap3A_333] {strides = array<i32>} : memref<5x128xi32, #tpu.memory_space<vmem>>, vector<1x16xi32>,
      %swap3A_335 = vector.shape_cast %swap3A_334 : vector<1x16xi32> to vector<16xi32>
      %swap3A_336 = vector.shape_cast %add3A_328 : vector<16xi32> to vector<1x16xi32>
      tpu.vector_store %arg13[%swap3A_332, %swap3A_333], %swap3A_336 {strides = array<i32>} : memref<5x128xi32, #tpu.memory_space<vmem>>, vector<1x16xi32>,
      %swap3A_337 = arith.index_cast %select_n3A_204 : i32 to index
      %swap3A_338 = arith.constant 32 : index
      %swap3A_339 = tpu.vector_load %arg14[%swap3A_337, %swap3A_338] {strides = array<i32>} : memref<5x128xi32, #tpu.memory_space<vmem>>, vector<1x16xi32>,
      %swap3A_340 = vector.shape_cast %swap3A_339 : vector<1x16xi32> to vector<16xi32>
      %swap3A_341 = vector.shape_cast %add3A_331 : vector<16xi32> to vector<1x16xi32>
      tpu.vector_store %arg14[%swap3A_337, %swap3A_338], %swap3A_341 {strides = array<i32>} : memref<5x128xi32, #tpu.memory_space<vmem>>, vector<1x16xi32>,
      %add3A_342 = arith.constant 48 : i32
      %add3A_343 = arith.addi %mul3A_245, %add3A_342 : i32
      %get3A_344 = arith.index_cast %add3A_343 : i32 to index
      %get3A_345 = tpu.vector_load %arg9[%get3A_344] {strides = array<i32>} : memref<2048xi32, #tpu.memory_space<vmem>>, vector<16xi32>,
      %get3A_346 = vector.shape_cast %get3A_345 : vector<16xi32> to vector<16xi32>
      %get3A_347 = arith.index_cast %add3A_343 : i32 to index
      %get3A_348 = tpu.vector_load %arg10[%get3A_347] {strides = array<i32>} : memref<2048xi32, #tpu.memory_space<vmem>>, vector<16xi32>,
      %get3A_349 = vector.shape_cast %get3A_348 : vector<16xi32> to vector<16xi32>
      %get3A_350 = arith.index_cast %add3A_343 : i32 to index
      %get3A_351 = tpu.vector_load %arg11[%get3A_350] {strides = array<i32>} : memref<2048xi32, #tpu.memory_space<vmem>>, vector<16xi32>,
      %get3A_352 = vector.shape_cast %get3A_351 : vector<16xi32> to vector<16xi32>
      %get3A_353 = arith.index_cast %add3A_343 : i32 to index
      %get3A_354 = tpu.vector_load %arg12[%get3A_353] {strides = array<i32>} : memref<2048xf32, #tpu.memory_space<vmem>>, vector<16xf32>,
      %get3A_355 = vector.shape_cast %get3A_354 : vector<16xf32> to vector<16xf32>
      %lt3A_356 = arith.cmpf olt, %get3A_355, %broadcast_in_dim3A_5 : vector<16xf32>
      %select_n3A_357 = arith.select %lt3A_356, %get3A_352, %broadcast_in_dim3A_9 : vector<16xi1>, vector<16xi32>
      %sub3A_358 = arith.subi %broadcast_in_dim3A_7, %select_n3A_357 : vector<16xi32>
      %mul3A_359 = arith.muli %get3A_352, %sub3A_358 : vector<16xi32>
      %mul3A_360 = arith.muli %mul3A_359, %broadcast_in_dim3A_11 : vector<16xi32>
      %add3A_361 = arith.addi %get3A_346, %mul3A_360 : vector<16xi32>
      %mul3A_362 = arith.muli %get3A_349, %sub3A_358 : vector<16xi32>
      %mul3A_363 = arith.muli %broadcast_in_dim3A_13, %select_n3A_357 : vector<16xi32>
      %add3A_364 = arith.addi %mul3A_362, %mul3A_363 : vector<16xi32>
      %swap3A_365 = arith.index_cast %select_n3A_204 : i32 to index
      %swap3A_366 = arith.constant 48 : index
      %swap3A_367 = tpu.vector_load %arg13[%swap3A_365, %swap3A_366] {strides = array<i32>} : memref<5x128xi32, #tpu.memory_space<vmem>>, vector<1x16xi32>,
      %swap3A_368 = vector.shape_cast %swap3A_367 : vector<1x16xi32> to vector<16xi32>
      %swap3A_369 = vector.shape_cast %add3A_361 : vector<16xi32> to vector<1x16xi32>
      tpu.vector_store %arg13[%swap3A_365, %swap3A_366], %swap3A_369 {strides = array<i32>} : memref<5x128xi32, #tpu.memory_space<vmem>>, vector<1x16xi32>,
      %swap3A_370 = arith.index_cast %select_n3A_204 : i32 to index
      %swap3A_371 = arith.constant 48 : index
      %swap3A_372 = tpu.vector_load %arg14[%swap3A_370, %swap3A_371] {strides = array<i32>} : memref<5x128xi32, #tpu.memory_space<vmem>>, vector<1x16xi32>,
      %swap3A_373 = vector.shape_cast %swap3A_372 : vector<1x16xi32> to vector<16xi32>
      %swap3A_374 = vector.shape_cast %add3A_364 : vector<16xi32> to vector<1x16xi32>
      tpu.vector_store %arg14[%swap3A_370, %swap3A_371], %swap3A_374 {strides = array<i32>} : memref<5x128xi32, #tpu.memory_space<vmem>>, vector<1x16xi32>,
      %add3A_375 = arith.constant 64 : i32
      %add3A_376 = arith.addi %mul3A_245, %add3A_375 : i32
      %get3A_377 = arith.index_cast %add3A_376 : i32 to index
      %get3A_378 = tpu.vector_load %arg9[%get3A_377] {strides = array<i32>} : memref<2048xi32, #tpu.memory_space<vmem>>, vector<16xi32>,
      %get3A_379 = vector.shape_cast %get3A_378 : vector<16xi32> to vector<16xi32>
      %get3A_380 = arith.index_cast %add3A_376 : i32 to index
      %get3A_381 = tpu.vector_load %arg10[%get3A_380] {strides = array<i32>} : memref<2048xi32, #tpu.memory_space<vmem>>, vector<16xi32>,
      %get3A_382 = vector.shape_cast %get3A_381 : vector<16xi32> to vector<16xi32>
      %get3A_383 = arith.index_cast %add3A_376 : i32 to index
      %get3A_384 = tpu.vector_load %arg11[%get3A_383] {strides = array<i32>} : memref<2048xi32, #tpu.memory_space<vmem>>, vector<16xi32>,
      %get3A_385 = vector.shape_cast %get3A_384 : vector<16xi32> to vector<16xi32>
      %get3A_386 = arith.index_cast %add3A_376 : i32 to index
      %get3A_387 = tpu.vector_load %arg12[%get3A_386] {strides = array<i32>} : memref<2048xf32, #tpu.memory_space<vmem>>, vector<16xf32>,
      %get3A_388 = vector.shape_cast %get3A_387 : vector<16xf32> to vector<16xf32>
      %lt3A_389 = arith.cmpf olt, %get3A_388, %broadcast_in_dim3A_5 : vector<16xf32>
      %select_n3A_390 = arith.select %lt3A_389, %get3A_385, %broadcast_in_dim3A_9 : vector<16xi1>, vector<16xi32>
      %sub3A_391 = arith.subi %broadcast_in_dim3A_7, %select_n3A_390 : vector<16xi32>
      %mul3A_392 = arith.muli %get3A_385, %sub3A_391 : vector<16xi32>
      %mul3A_393 = arith.muli %mul3A_392, %broadcast_in_dim3A_11 : vector<16xi32>
      %add3A_394 = arith.addi %get3A_379, %mul3A_393 : vector<16xi32>
      %mul3A_395 = arith.muli %get3A_382, %sub3A_391 : vector<16xi32>
      %mul3A_396 = arith.muli %broadcast_in_dim3A_13, %select_n3A_390 : vector<16xi32>
      %add3A_397 = arith.addi %mul3A_395, %mul3A_396 : vector<16xi32>
      %swap3A_398 = arith.index_cast %select_n3A_204 : i32 to index
      %swap3A_399 = arith.constant 64 : index
      %swap3A_400 = tpu.vector_load %arg13[%swap3A_398, %swap3A_399] {strides = array<i32>} : memref<5x128xi32, #tpu.memory_space<vmem>>, vector<1x16xi32>,
      %swap3A_401 = vector.shape_cast %swap3A_400 : vector<1x16xi32> to vector<16xi32>
      %swap3A_402 = vector.shape_cast %add3A_394 : vector<16xi32> to vector<1x16xi32>
      tpu.vector_store %arg13[%swap3A_398, %swap3A_399], %swap3A_402 {strides = array<i32>} : memref<5x128xi32, #tpu.memory_space<vmem>>, vector<1x16xi32>,
      %swap3A_403 = arith.index_cast %select_n3A_204 : i32 to index
      %swap3A_404 = arith.constant 64 : index
      %swap3A_405 = tpu.vector_load %arg14[%swap3A_403, %swap3A_404] {strides = array<i32>} : memref<5x128xi32, #tpu.memory_space<vmem>>, vector<1x16xi32>,
      %swap3A_406 = vector.shape_cast %swap3A_405 : vector<1x16xi32> to vector<16xi32>
      %swap3A_407 = vector.shape_cast %add3A_397 : vector<16xi32> to vector<1x16xi32>
      tpu.vector_store %arg14[%swap3A_403, %swap3A_404], %swap3A_407 {strides = array<i32>} : memref<5x128xi32, #tpu.memory_space<vmem>>, vector<1x16xi32>,
      %add3A_408 = arith.constant 80 : i32
      %add3A_409 = arith.addi %mul3A_245, %add3A_408 : i32
      %get3A_410 = arith.index_cast %add3A_409 : i32 to index
      %get3A_411 = tpu.vector_load %arg9[%get3A_410] {strides = array<i32>} : memref<2048xi32, #tpu.memory_space<vmem>>, vector<16xi32>,
      %get3A_412 = vector.shape_cast %get3A_411 : vector<16xi32> to vector<16xi32>
      %get3A_413 = arith.index_cast %add3A_409 : i32 to index
      %get3A_414 = tpu.vector_load %arg10[%get3A_413] {strides = array<i32>} : memref<2048xi32, #tpu.memory_space<vmem>>, vector<16xi32>,
      %get3A_415 = vector.shape_cast %get3A_414 : vector<16xi32> to vector<16xi32>
      %get3A_416 = arith.index_cast %add3A_409 : i32 to index
      %get3A_417 = tpu.vector_load %arg11[%get3A_416] {strides = array<i32>} : memref<2048xi32, #tpu.memory_space<vmem>>, vector<16xi32>,
      %get3A_418 = vector.shape_cast %get3A_417 : vector<16xi32> to vector<16xi32>
      %get3A_419 = arith.index_cast %add3A_409 : i32 to index
      %get3A_420 = tpu.vector_load %arg12[%get3A_419] {strides = array<i32>} : memref<2048xf32, #tpu.memory_space<vmem>>, vector<16xf32>,
      %get3A_421 = vector.shape_cast %get3A_420 : vector<16xf32> to vector<16xf32>
      %lt3A_422 = arith.cmpf olt, %get3A_421, %broadcast_in_dim3A_5 : vector<16xf32>
      %select_n3A_423 = arith.select %lt3A_422, %get3A_418, %broadcast_in_dim3A_9 : vector<16xi1>, vector<16xi32>
      %sub3A_424 = arith.subi %broadcast_in_dim3A_7, %select_n3A_423 : vector<16xi32>
      %mul3A_425 = arith.muli %get3A_418, %sub3A_424 : vector<16xi32>
      %mul3A_426 = arith.muli %mul3A_425, %broadcast_in_dim3A_11 : vector<16xi32>
      %add3A_427 = arith.addi %get3A_412, %mul3A_426 : vector<16xi32>
      %mul3A_428 = arith.muli %get3A_415, %sub3A_424 : vector<16xi32>
      %mul3A_429 = arith.muli %broadcast_in_dim3A_13, %select_n3A_423 : vector<16xi32>
      %add3A_430 = arith.addi %mul3A_428, %mul3A_429 : vector<16xi32>
      %swap3A_431 = arith.index_cast %select_n3A_204 : i32 to index
      %swap3A_432 = arith.constant 80 : index
      %swap3A_433 = tpu.vector_load %arg13[%swap3A_431, %swap3A_432] {strides = array<i32>} : memref<5x128xi32, #tpu.memory_space<vmem>>, vector<1x16xi32>,
      %swap3A_434 = vector.shape_cast %swap3A_433 : vector<1x16xi32> to vector<16xi32>
      %swap3A_435 = vector.shape_cast %add3A_427 : vector<16xi32> to vector<1x16xi32>
      tpu.vector_store %arg13[%swap3A_431, %swap3A_432], %swap3A_435 {strides = array<i32>} : memref<5x128xi32, #tpu.memory_space<vmem>>, vector<1x16xi32>,
      %swap3A_436 = arith.index_cast %select_n3A_204 : i32 to index
      %swap3A_437 = arith.constant 80 : index
      %swap3A_438 = tpu.vector_load %arg14[%swap3A_436, %swap3A_437] {strides = array<i32>} : memref<5x128xi32, #tpu.memory_space<vmem>>, vector<1x16xi32>,
      %swap3A_439 = vector.shape_cast %swap3A_438 : vector<1x16xi32> to vector<16xi32>
      %swap3A_440 = vector.shape_cast %add3A_430 : vector<16xi32> to vector<1x16xi32>
      tpu.vector_store %arg14[%swap3A_436, %swap3A_437], %swap3A_440 {strides = array<i32>} : memref<5x128xi32, #tpu.memory_space<vmem>>, vector<1x16xi32>,
      %add3A_441 = arith.constant 96 : i32
      %add3A_442 = arith.addi %mul3A_245, %add3A_441 : i32
      %get3A_443 = arith.index_cast %add3A_442 : i32 to index
      %get3A_444 = tpu.vector_load %arg9[%get3A_443] {strides = array<i32>} : memref<2048xi32, #tpu.memory_space<vmem>>, vector<16xi32>,
      %get3A_445 = vector.shape_cast %get3A_444 : vector<16xi32> to vector<16xi32>
      %get3A_446 = arith.index_cast %add3A_442 : i32 to index
      %get3A_447 = tpu.vector_load %arg10[%get3A_446] {strides = array<i32>} : memref<2048xi32, #tpu.memory_space<vmem>>, vector<16xi32>,
      %get3A_448 = vector.shape_cast %get3A_447 : vector<16xi32> to vector<16xi32>
      %get3A_449 = arith.index_cast %add3A_442 : i32 to index
      %get3A_450 = tpu.vector_load %arg11[%get3A_449] {strides = array<i32>} : memref<2048xi32, #tpu.memory_space<vmem>>, vector<16xi32>,
      %get3A_451 = vector.shape_cast %get3A_450 : vector<16xi32> to vector<16xi32>
      %get3A_452 = arith.index_cast %add3A_442 : i32 to index
      %get3A_453 = tpu.vector_load %arg12[%get3A_452] {strides = array<i32>} : memref<2048xf32, #tpu.memory_space<vmem>>, vector<16xf32>,
      %get3A_454 = vector.shape_cast %get3A_453 : vector<16xf32> to vector<16xf32>
      %lt3A_455 = arith.cmpf olt, %get3A_454, %broadcast_in_dim3A_5 : vector<16xf32>
      %select_n3A_456 = arith.select %lt3A_455, %get3A_451, %broadcast_in_dim3A_9 : vector<16xi1>, vector<16xi32>
      %sub3A_457 = arith.subi %broadcast_in_dim3A_7, %select_n3A_456 : vector<16xi32>
      %mul3A_458 = arith.muli %get3A_451, %sub3A_457 : vector<16xi32>
      %mul3A_459 = arith.muli %mul3A_458, %broadcast_in_dim3A_11 : vector<16xi32>
      %add3A_460 = arith.addi %get3A_445, %mul3A_459 : vector<16xi32>
      %mul3A_461 = arith.muli %get3A_448, %sub3A_457 : vector<16xi32>
      %mul3A_462 = arith.muli %broadcast_in_dim3A_13, %select_n3A_456 : vector<16xi32>
      %add3A_463 = arith.addi %mul3A_461, %mul3A_462 : vector<16xi32>
      %swap3A_464 = arith.index_cast %select_n3A_204 : i32 to index
      %swap3A_465 = arith.constant 96 : index
      %swap3A_466 = tpu.vector_load %arg13[%swap3A_464, %swap3A_465] {strides = array<i32>} : memref<5x128xi32, #tpu.memory_space<vmem>>, vector<1x16xi32>,
      %swap3A_467 = vector.shape_cast %swap3A_466 : vector<1x16xi32> to vector<16xi32>
      %swap3A_468 = vector.shape_cast %add3A_460 : vector<16xi32> to vector<1x16xi32>
      tpu.vector_store %arg13[%swap3A_464, %swap3A_465], %swap3A_468 {strides = array<i32>} : memref<5x128xi32, #tpu.memory_space<vmem>>, vector<1x16xi32>,
      %swap3A_469 = arith.index_cast %select_n3A_204 : i32 to index
      %swap3A_470 = arith.constant 96 : index
      %swap3A_471 = tpu.vector_load %arg14[%swap3A_469, %swap3A_470] {strides = array<i32>} : memref<5x128xi32, #tpu.memory_space<vmem>>, vector<1x16xi32>,
      %swap3A_472 = vector.shape_cast %swap3A_471 : vector<1x16xi32> to vector<16xi32>
      %swap3A_473 = vector.shape_cast %add3A_463 : vector<16xi32> to vector<1x16xi32>
      tpu.vector_store %arg14[%swap3A_469, %swap3A_470], %swap3A_473 {strides = array<i32>} : memref<5x128xi32, #tpu.memory_space<vmem>>, vector<1x16xi32>,
      %add3A_474 = arith.constant 112 : i32
      %add3A_475 = arith.addi %mul3A_245, %add3A_474 : i32
      %get3A_476 = arith.index_cast %add3A_475 : i32 to index
      %get3A_477 = tpu.vector_load %arg9[%get3A_476] {strides = array<i32>} : memref<2048xi32, #tpu.memory_space<vmem>>, vector<16xi32>,
      %get3A_478 = vector.shape_cast %get3A_477 : vector<16xi32> to vector<16xi32>
      %get3A_479 = arith.index_cast %add3A_475 : i32 to index
      %get3A_480 = tpu.vector_load %arg10[%get3A_479] {strides = array<i32>} : memref<2048xi32, #tpu.memory_space<vmem>>, vector<16xi32>,
      %get3A_481 = vector.shape_cast %get3A_480 : vector<16xi32> to vector<16xi32>
      %get3A_482 = arith.index_cast %add3A_475 : i32 to index
      %get3A_483 = tpu.vector_load %arg11[%get3A_482] {strides = array<i32>} : memref<2048xi32, #tpu.memory_space<vmem>>, vector<16xi32>,
      %get3A_484 = vector.shape_cast %get3A_483 : vector<16xi32> to vector<16xi32>
      %get3A_485 = arith.index_cast %add3A_475 : i32 to index
      %get3A_486 = tpu.vector_load %arg12[%get3A_485] {strides = array<i32>} : memref<2048xf32, #tpu.memory_space<vmem>>, vector<16xf32>,
      %get3A_487 = vector.shape_cast %get3A_486 : vector<16xf32> to vector<16xf32>
      %lt3A_488 = arith.cmpf olt, %get3A_487, %broadcast_in_dim3A_5 : vector<16xf32>
      %select_n3A_489 = arith.select %lt3A_488, %get3A_484, %broadcast_in_dim3A_9 : vector<16xi1>, vector<16xi32>
      %sub3A_490 = arith.subi %broadcast_in_dim3A_7, %select_n3A_489 : vector<16xi32>
      %mul3A_491 = arith.muli %get3A_484, %sub3A_490 : vector<16xi32>
      %mul3A_492 = arith.muli %mul3A_491, %broadcast_in_dim3A_11 : vector<16xi32>
      %add3A_493 = arith.addi %get3A_478, %mul3A_492 : vector<16xi32>
      %mul3A_494 = arith.muli %get3A_481, %sub3A_490 : vector<16xi32>
      %mul3A_495 = arith.muli %broadcast_in_dim3A_13, %select_n3A_489 : vector<16xi32>
      %add3A_496 = arith.addi %mul3A_494, %mul3A_495 : vector<16xi32>
      %swap3A_497 = arith.index_cast %select_n3A_204 : i32 to index
      %swap3A_498 = arith.constant 112 : index
      %swap3A_499 = tpu.vector_load %arg13[%swap3A_497, %swap3A_498] {strides = array<i32>} : memref<5x128xi32, #tpu.memory_space<vmem>>, vector<1x16xi32>,
      %swap3A_500 = vector.shape_cast %swap3A_499 : vector<1x16xi32> to vector<16xi32>
      %swap3A_501 = vector.shape_cast %add3A_493 : vector<16xi32> to vector<1x16xi32>
      tpu.vector_store %arg13[%swap3A_497, %swap3A_498], %swap3A_501 {strides = array<i32>} : memref<5x128xi32, #tpu.memory_space<vmem>>, vector<1x16xi32>,
      %swap3A_502 = arith.index_cast %select_n3A_204 : i32 to index
      %swap3A_503 = arith.constant 112 : index
      %swap3A_504 = tpu.vector_load %arg14[%swap3A_502, %swap3A_503] {strides = array<i32>} : memref<5x128xi32, #tpu.memory_space<vmem>>, vector<1x16xi32>,
      %swap3A_505 = vector.shape_cast %swap3A_504 : vector<1x16xi32> to vector<16xi32>
      %swap3A_506 = vector.shape_cast %add3A_496 : vector<16xi32> to vector<1x16xi32>
      tpu.vector_store %arg14[%swap3A_502, %swap3A_503], %swap3A_506 {strides = array<i32>} : memref<5x128xi32, #tpu.memory_space<vmem>>, vector<1x16xi32>,
      %dma_start3A_507 = arith.constant 0 : i32
      %dma_start3A_508 = arith.constant 0 : i32
      %dma_start3A_509 = tpu.memref_slice %arg15[%select_n3A_204, %dma_start3A_507, %dma_start3A_508] : memref<5x128x160xbf16, #tpu.memory_space<vmem>> -> memref<1x128x160xbf16, #tpu.memory_space<vmem>>
      %dma_start3A_510 = tpu.memref_squeeze %dma_start3A_509 : memref<1x128x160xbf16, #tpu.memory_space<vmem>> -> memref<128x160xbf16, #tpu.memory_space<vmem>>
      %dma_start3A_511 = arith.constant 0 : i32
      %dma_start3A_512 = tpu.memref_slice %arg13[%select_n3A_204, %dma_start3A_511] : memref<5x128xi32, #tpu.memory_space<vmem>> -> memref<1x128xi32, #tpu.memory_space<vmem>>
      %dma_start3A_513 = tpu.memref_squeeze %dma_start3A_512 : memref<1x128xi32, #tpu.memory_space<vmem>> -> memref<128xi32, #tpu.memory_space<vmem>>
      %dma_start3A_514 = arith.constant 0 : i32
      %dma_start3A_515 = arith.constant 0 : i32
      %dma_start3A_516 = tpu.memref_slice %arg2[%arg0, %dma_start3A_514, %dma_start3A_515] : memref<2x20000x160xbf16, #tpu.memory_space<hbm>> -> memref<1x20000x160xbf16, #tpu.memory_space<hbm>>
      %dma_start3A_517 = tpu.memref_squeeze %dma_start3A_516 : memref<1x20000x160xbf16, #tpu.memory_space<hbm>> -> memref<20000x160xbf16, #tpu.memory_space<hbm>>
      %dma_start3A_518 = arith.constant 0 : i32
      %dma_start3A_519 = arith.constant 0 : i32
      %dma_start3A_520 = tpu.memref_slice %dma_start3A_517[%dma_start3A_518, %dma_start3A_519] : memref<20000x160xbf16, #tpu.memory_space<hbm>> -> memref<20000x160xbf16, #tpu.memory_space<hbm>>
      %dma_start3A_521 = tpu.memref_slice %arg17[%select_n3A_204] : memref<5x!tpu.dma_semaphore, #tpu.memory_space<semaphore_mem>> -> memref<1x!tpu.dma_semaphore, #tpu.memory_space<semaphore_mem>>
      %dma_start3A_522 = tpu.memref_squeeze %dma_start3A_521 : memref<1x!tpu.dma_semaphore, #tpu.memory_space<semaphore_mem>> -> memref<!tpu.dma_semaphore, #tpu.memory_space<semaphore_mem>>
      tpu.enqueue_indirect_dma source(%dma_start3A_520 : memref<20000x160xbf16, #tpu.memory_space<hbm>>) target(%dma_start3A_510 : memref<128x160xbf16, #tpu.memory_space<vmem>>) offsets(%dma_start3A_513 : memref<128xi32, #tpu.memory_space<vmem>>) semaphore(%dma_start3A_522 : memref<!tpu.dma_semaphore, #tpu.memory_space<semaphore_mem>>)
      %ge3A_523 = arith.constant 3 : i32
      %ge3A_524 = arith.cmpi sge, %scan3A_195, %ge3A_523 : i32
      %convert_element_type3A_525 = arith.extui %ge3A_524 : i1 to i32
      %cond3A_526 = arith.constant 0 : i32
      %cond3A_527 = arith.cmpi ne, %convert_element_type3A_525, %cond3A_526 : i32
      scf.if %cond3A_527 {
        %sub3A_528 = arith.constant 3 : i32
        %sub3A_529 = arith.subi %scan3A_195, %sub3A_528 : i32
        %jit3A_530 = arith.constant 5 : i32
        %eq3A_531 = arith.constant 0 : i32
        %eq3A_532 = arith.cmpi eq, %jit3A_530, %eq3A_531 : i32
        %jit3A_533 = arith.constant 1 : i32
        %select_n3A_534 = arith.select %eq3A_532, %jit3A_533, %jit3A_530 : i32
        %rem3A_535 = arith.remsi %sub3A_529, %select_n3A_534 : i32
        %ne3A_536 = arith.constant 0 : i32
        %ne3A_537 = arith.cmpi ne, %rem3A_535, %ne3A_536 : i32
        %lt3A_538 = arith.constant 0 : i32
        %lt3A_539 = arith.cmpi slt, %rem3A_535, %lt3A_538 : i32
        %lt3A_540 = arith.constant 0 : i32
        %lt3A_541 = arith.cmpi slt, %select_n3A_534, %lt3A_540 : i32
        %ne3A_542 = arith.xori %lt3A_539, %lt3A_541 : i1
        %and3A_543 = arith.andi %ne3A_542, %ne3A_537 : i1
        %add3A_544 = arith.addi %rem3A_535, %select_n3A_534 : i32
        %select_n3A_545 = arith.select %and3A_543, %add3A_544, %rem3A_535 : i32
        %dma_wait3A_546 = arith.constant 0 : i32
        %dma_wait3A_547 = arith.constant 0 : i32
        %dma_wait3A_548 = tpu.memref_slice %arg15[%select_n3A_545, %dma_wait3A_546, %dma_wait3A_547] : memref<5x128x160xbf16, #tpu.memory_space<vmem>> -> memref<1x128x160xbf16, #tpu.memory_space<vmem>>
        %dma_wait3A_549 = tpu.memref_squeeze %dma_wait3A_548 : memref<1x128x160xbf16, #tpu.memory_space<vmem>> -> memref<128x160xbf16, #tpu.memory_space<vmem>>
        %dma_wait3A_550 = arith.constant 0 : i32
        %dma_wait3A_551 = tpu.memref_slice %arg13[%select_n3A_545, %dma_wait3A_550] : memref<5x128xi32, #tpu.memory_space<vmem>> -> memref<1x128xi32, #tpu.memory_space<vmem>>
        %dma_wait3A_552 = tpu.memref_squeeze %dma_wait3A_551 : memref<1x128xi32, #tpu.memory_space<vmem>> -> memref<128xi32, #tpu.memory_space<vmem>>
        %dma_wait3A_553 = arith.constant 0 : i32
        %dma_wait3A_554 = arith.constant 0 : i32
        %dma_wait3A_555 = tpu.memref_slice %arg2[%arg0, %dma_wait3A_553, %dma_wait3A_554] : memref<2x20000x160xbf16, #tpu.memory_space<hbm>> -> memref<1x20000x160xbf16, #tpu.memory_space<hbm>>
        %dma_wait3A_556 = tpu.memref_squeeze %dma_wait3A_555 : memref<1x20000x160xbf16, #tpu.memory_space<hbm>> -> memref<20000x160xbf16, #tpu.memory_space<hbm>>
        %dma_wait3A_557 = arith.constant 0 : i32
        %dma_wait3A_558 = arith.constant 0 : i32
        %dma_wait3A_559 = tpu.memref_slice %dma_wait3A_556[%dma_wait3A_557, %dma_wait3A_558] : memref<20000x160xbf16, #tpu.memory_space<hbm>> -> memref<20000x160xbf16, #tpu.memory_space<hbm>>
        %dma_wait3A_560 = tpu.memref_slice %arg17[%select_n3A_545] : memref<5x!tpu.dma_semaphore, #tpu.memory_space<semaphore_mem>> -> memref<1x!tpu.dma_semaphore, #tpu.memory_space<semaphore_mem>>
        %dma_wait3A_561 = tpu.memref_squeeze %dma_wait3A_560 : memref<1x!tpu.dma_semaphore, #tpu.memory_space<semaphore_mem>> -> memref<!tpu.dma_semaphore, #tpu.memory_space<semaphore_mem>>
        tpu.wait_indirect_dma semaphore(%dma_wait3A_561 : memref<!tpu.dma_semaphore, #tpu.memory_space<semaphore_mem>>) src(%dma_wait3A_559 : memref<20000x160xbf16, #tpu.memory_space<hbm>>) dst(%dma_wait3A_549 : memref<128x160xbf16, #tpu.memory_space<vmem>>)
        %dma_start3A_562 = arith.constant 0 : i32
        %dma_start3A_563 = arith.constant 0 : i32
        %dma_start3A_564 = tpu.memref_slice %arg15[%select_n3A_545, %dma_start3A_562, %dma_start3A_563] : memref<5x128x160xbf16, #tpu.memory_space<vmem>> -> memref<1x128x160xbf16, #tpu.memory_space<vmem>>
        %dma_start3A_565 = tpu.memref_squeeze %dma_start3A_564 : memref<1x128x160xbf16, #tpu.memory_space<vmem>> -> memref<128x160xbf16, #tpu.memory_space<vmem>>
        %dma_start3A_566 = arith.constant 0 : i32
        %dma_start3A_567 = tpu.memref_slice %arg14[%select_n3A_545, %dma_start3A_566] : memref<5x128xi32, #tpu.memory_space<vmem>> -> memref<1x128xi32, #tpu.memory_space<vmem>>
        %dma_start3A_568 = tpu.memref_squeeze %dma_start3A_567 : memref<1x128xi32, #tpu.memory_space<vmem>> -> memref<128xi32, #tpu.memory_space<vmem>>
        %dma_start3A_569 = arith.constant 0 : i32
        %dma_start3A_570 = arith.constant 0 : i32
        %dma_start3A_571 = tpu.memref_slice %arg16[%dma_start3A_569, %dma_start3A_570] : memref<10112x160xbf16, #tpu.memory_space<vmem_shared>> -> memref<10112x160xbf16, #tpu.memory_space<vmem_shared>>
        %dma_start3A_572 = tpu.memref_slice %arg18[%select_n3A_545] : memref<5x!tpu.dma_semaphore, #tpu.memory_space<semaphore_mem>> -> memref<1x!tpu.dma_semaphore, #tpu.memory_space<semaphore_mem>>
        %dma_start3A_573 = tpu.memref_squeeze %dma_start3A_572 : memref<1x!tpu.dma_semaphore, #tpu.memory_space<semaphore_mem>> -> memref<!tpu.dma_semaphore, #tpu.memory_space<semaphore_mem>>
        tpu.enqueue_indirect_dma source(%dma_start3A_565 : memref<128x160xbf16, #tpu.memory_space<vmem>>) target(%dma_start3A_571 : memref<10112x160xbf16, #tpu.memory_space<vmem_shared>>) offsets(%dma_start3A_568 : memref<128xi32, #tpu.memory_space<vmem>>) semaphore(%dma_start3A_573 : memref<!tpu.dma_semaphore, #tpu.memory_space<semaphore_mem>>) {add = true}
      } else {
      }
    }
    %scan3A_18 = arith.constant 80 : i32
    %dma_wait3A = arith.constant 2 : i32
    %dma_wait3A_19 = arith.constant 2 : i32
    %dma_wait3A_20 = arith.constant 2 : i32
    %dma_wait3A_21 = arith.constant 0 : i32
    %dma_wait3A_22 = arith.constant 0 : i32
    %dma_wait3A_23 = tpu.memref_slice %arg15[%dma_wait3A_19, %dma_wait3A_21, %dma_wait3A_22] : memref<5x128x160xbf16, #tpu.memory_space<vmem>> -> memref<1x128x160xbf16, #tpu.memory_space<vmem>>
    %dma_wait3A_24 = tpu.memref_squeeze %dma_wait3A_23 : memref<1x128x160xbf16, #tpu.memory_space<vmem>> -> memref<128x160xbf16, #tpu.memory_space<vmem>>
    %dma_wait3A_25 = arith.constant 0 : i32
    %dma_wait3A_26 = tpu.memref_slice %arg13[%dma_wait3A, %dma_wait3A_25] : memref<5x128xi32, #tpu.memory_space<vmem>> -> memref<1x128xi32, #tpu.memory_space<vmem>>
    %dma_wait3A_27 = tpu.memref_squeeze %dma_wait3A_26 : memref<1x128xi32, #tpu.memory_space<vmem>> -> memref<128xi32, #tpu.memory_space<vmem>>
    %dma_wait3A_28 = arith.constant 0 : i32
    %dma_wait3A_29 = arith.constant 0 : i32
    %dma_wait3A_30 = tpu.memref_slice %arg2[%arg0, %dma_wait3A_28, %dma_wait3A_29] : memref<2x20000x160xbf16, #tpu.memory_space<hbm>> -> memref<1x20000x160xbf16, #tpu.memory_space<hbm>>
    %dma_wait3A_31 = tpu.memref_squeeze %dma_wait3A_30 : memref<1x20000x160xbf16, #tpu.memory_space<hbm>> -> memref<20000x160xbf16, #tpu.memory_space<hbm>>
    %dma_wait3A_32 = arith.constant 0 : i32
    %dma_wait3A_33 = arith.constant 0 : i32
    %dma_wait3A_34 = tpu.memref_slice %dma_wait3A_31[%dma_wait3A_32, %dma_wait3A_33] : memref<20000x160xbf16, #tpu.memory_space<hbm>> -> memref<20000x160xbf16, #tpu.memory_space<hbm>>
    %dma_wait3A_35 = tpu.memref_slice %arg17[%dma_wait3A_20] : memref<5x!tpu.dma_semaphore, #tpu.memory_space<semaphore_mem>> -> memref<1x!tpu.dma_semaphore, #tpu.memory_space<semaphore_mem>>
    %dma_wait3A_36 = tpu.memref_squeeze %dma_wait3A_35 : memref<1x!tpu.dma_semaphore, #tpu.memory_space<semaphore_mem>> -> memref<!tpu.dma_semaphore, #tpu.memory_space<semaphore_mem>>
    tpu.wait_indirect_dma semaphore(%dma_wait3A_36 : memref<!tpu.dma_semaphore, #tpu.memory_space<semaphore_mem>>) src(%dma_wait3A_34 : memref<20000x160xbf16, #tpu.memory_space<hbm>>) dst(%dma_wait3A_24 : memref<128x160xbf16, #tpu.memory_space<vmem>>)
    %dma_start3A = arith.constant 2 : i32
    %dma_start3A_37 = arith.constant 2 : i32
    %dma_start3A_38 = arith.constant 2 : i32
    %dma_start3A_39 = arith.constant 0 : i32
    %dma_start3A_40 = arith.constant 0 : i32
    %dma_start3A_41 = tpu.memref_slice %arg15[%dma_start3A, %dma_start3A_39, %dma_start3A_40] : memref<5x128x160xbf16, #tpu.memory_space<vmem>> -> memref<1x128x160xbf16, #tpu.memory_space<vmem>>
    %dma_start3A_42 = tpu.memref_squeeze %dma_start3A_41 : memref<1x128x160xbf16, #tpu.memory_space<vmem>> -> memref<128x160xbf16, #tpu.memory_space<vmem>>
    %dma_start3A_43 = arith.constant 0 : i32
    %dma_start3A_44 = tpu.memref_slice %arg14[%dma_start3A_37, %dma_start3A_43] : memref<5x128xi32, #tpu.memory_space<vmem>> -> memref<1x128xi32, #tpu.memory_space<vmem>>
    %dma_start3A_45 = tpu.memref_squeeze %dma_start3A_44 : memref<1x128xi32, #tpu.memory_space<vmem>> -> memref<128xi32, #tpu.memory_space<vmem>>
    %dma_start3A_46 = arith.constant 0 : i32
    %dma_start3A_47 = arith.constant 0 : i32
    %dma_start3A_48 = tpu.memref_slice %arg16[%dma_start3A_46, %dma_start3A_47] : memref<10112x160xbf16, #tpu.memory_space<vmem_shared>> -> memref<10112x160xbf16, #tpu.memory_space<vmem_shared>>
    %dma_start3A_49 = tpu.memref_slice %arg18[%dma_start3A_38] : memref<5x!tpu.dma_semaphore, #tpu.memory_space<semaphore_mem>> -> memref<1x!tpu.dma_semaphore, #tpu.memory_space<semaphore_mem>>
    %dma_start3A_50 = tpu.memref_squeeze %dma_start3A_49 : memref<1x!tpu.dma_semaphore, #tpu.memory_space<semaphore_mem>> -> memref<!tpu.dma_semaphore, #tpu.memory_space<semaphore_mem>>
    tpu.enqueue_indirect_dma source(%dma_start3A_42 : memref<128x160xbf16, #tpu.memory_space<vmem>>) target(%dma_start3A_48 : memref<10112x160xbf16, #tpu.memory_space<vmem_shared>>) offsets(%dma_start3A_45 : memref<128xi32, #tpu.memory_space<vmem>>) semaphore(%dma_start3A_50 : memref<!tpu.dma_semaphore, #tpu.memory_space<semaphore_mem>>) {add = true}
    %dma_wait3A_51 = arith.constant 3 : i32
    %dma_wait3A_52 = arith.constant 3 : i32
    %dma_wait3A_53 = arith.constant 3 : i32
    %dma_wait3A_54 = arith.constant 0 : i32
    %dma_wait3A_55 = arith.constant 0 : i32
    %dma_wait3A_56 = tpu.memref_slice %arg15[%dma_wait3A_52, %dma_wait3A_54, %dma_wait3A_55] : memref<5x128x160xbf16, #tpu.memory_space<vmem>> -> memref<1x128x160xbf16, #tpu.memory_space<vmem>>
    %dma_wait3A_57 = tpu.memref_squeeze %dma_wait3A_56 : memref<1x128x160xbf16, #tpu.memory_space<vmem>> -> memref<128x160xbf16, #tpu.memory_space<vmem>>
    %dma_wait3A_58 = arith.constant 0 : i32
    %dma_wait3A_59 = tpu.memref_slice %arg13[%dma_wait3A_51, %dma_wait3A_58] : memref<5x128xi32, #tpu.memory_space<vmem>> -> memref<1x128xi32, #tpu.memory_space<vmem>>
    %dma_wait3A_60 = tpu.memref_squeeze %dma_wait3A_59 : memref<1x128xi32, #tpu.memory_space<vmem>> -> memref<128xi32, #tpu.memory_space<vmem>>
    %dma_wait3A_61 = arith.constant 0 : i32
    %dma_wait3A_62 = arith.constant 0 : i32
    %dma_wait3A_63 = tpu.memref_slice %arg2[%arg0, %dma_wait3A_61, %dma_wait3A_62] : memref<2x20000x160xbf16, #tpu.memory_space<hbm>> -> memref<1x20000x160xbf16, #tpu.memory_space<hbm>>
    %dma_wait3A_64 = tpu.memref_squeeze %dma_wait3A_63 : memref<1x20000x160xbf16, #tpu.memory_space<hbm>> -> memref<20000x160xbf16, #tpu.memory_space<hbm>>
    %dma_wait3A_65 = arith.constant 0 : i32
    %dma_wait3A_66 = arith.constant 0 : i32
    %dma_wait3A_67 = tpu.memref_slice %dma_wait3A_64[%dma_wait3A_65, %dma_wait3A_66] : memref<20000x160xbf16, #tpu.memory_space<hbm>> -> memref<20000x160xbf16, #tpu.memory_space<hbm>>
    %dma_wait3A_68 = tpu.memref_slice %arg17[%dma_wait3A_53] : memref<5x!tpu.dma_semaphore, #tpu.memory_space<semaphore_mem>> -> memref<1x!tpu.dma_semaphore, #tpu.memory_space<semaphore_mem>>
    %dma_wait3A_69 = tpu.memref_squeeze %dma_wait3A_68 : memref<1x!tpu.dma_semaphore, #tpu.memory_space<semaphore_mem>> -> memref<!tpu.dma_semaphore, #tpu.memory_space<semaphore_mem>>
    tpu.wait_indirect_dma semaphore(%dma_wait3A_69 : memref<!tpu.dma_semaphore, #tpu.memory_space<semaphore_mem>>) src(%dma_wait3A_67 : memref<20000x160xbf16, #tpu.memory_space<hbm>>) dst(%dma_wait3A_57 : memref<128x160xbf16, #tpu.memory_space<vmem>>)
    %dma_start3A_70 = arith.constant 3 : i32
    %dma_start3A_71 = arith.constant 3 : i32
    %dma_start3A_72 = arith.constant 3 : i32
    %dma_start3A_73 = arith.constant 0 : i32
    %dma_start3A_74 = arith.constant 0 : i32
    %dma_start3A_75 = tpu.memref_slice %arg15[%dma_start3A_70, %dma_start3A_73, %dma_start3A_74] : memref<5x128x160xbf16, #tpu.memory_space<vmem>> -> memref<1x128x160xbf16, #tpu.memory_space<vmem>>
    %dma_start3A_76 = tpu.memref_squeeze %dma_start3A_75 : memref<1x128x160xbf16, #tpu.memory_space<vmem>> -> memref<128x160xbf16, #tpu.memory_space<vmem>>
    %dma_start3A_77 = arith.constant 0 : i32
    %dma_start3A_78 = tpu.memref_slice %arg14[%dma_start3A_71, %dma_start3A_77] : memref<5x128xi32, #tpu.memory_space<vmem>> -> memref<1x128xi32, #tpu.memory_space<vmem>>
    %dma_start3A_79 = tpu.memref_squeeze %dma_start3A_78 : memref<1x128xi32, #tpu.memory_space<vmem>> -> memref<128xi32, #tpu.memory_space<vmem>>
    %dma_start3A_80 = arith.constant 0 : i32
    %dma_start3A_81 = arith.constant 0 : i32
    %dma_start3A_82 = tpu.memref_slice %arg16[%dma_start3A_80, %dma_start3A_81] : memref<10112x160xbf16, #tpu.memory_space<vmem_shared>> -> memref<10112x160xbf16, #tpu.memory_space<vmem_shared>>
    %dma_start3A_83 = tpu.memref_slice %arg18[%dma_start3A_72] : memref<5x!tpu.dma_semaphore, #tpu.memory_space<semaphore_mem>> -> memref<1x!tpu.dma_semaphore, #tpu.memory_space<semaphore_mem>>
    %dma_start3A_84 = tpu.memref_squeeze %dma_start3A_83 : memref<1x!tpu.dma_semaphore, #tpu.memory_space<semaphore_mem>> -> memref<!tpu.dma_semaphore, #tpu.memory_space<semaphore_mem>>
    tpu.enqueue_indirect_dma source(%dma_start3A_76 : memref<128x160xbf16, #tpu.memory_space<vmem>>) target(%dma_start3A_82 : memref<10112x160xbf16, #tpu.memory_space<vmem_shared>>) offsets(%dma_start3A_79 : memref<128xi32, #tpu.memory_space<vmem>>) semaphore(%dma_start3A_84 : memref<!tpu.dma_semaphore, #tpu.memory_space<semaphore_mem>>) {add = true}
    %dma_wait3A_85 = arith.constant 4 : i32
    %dma_wait3A_86 = arith.constant 4 : i32
    %dma_wait3A_87 = arith.constant 4 : i32
    %dma_wait3A_88 = arith.constant 0 : i32
    %dma_wait3A_89 = arith.constant 0 : i32
    %dma_wait3A_90 = tpu.memref_slice %arg15[%dma_wait3A_86, %dma_wait3A_88, %dma_wait3A_89] : memref<5x128x160xbf16, #tpu.memory_space<vmem>> -> memref<1x128x160xbf16, #tpu.memory_space<vmem>>
    %dma_wait3A_91 = tpu.memref_squeeze %dma_wait3A_90 : memref<1x128x160xbf16, #tpu.memory_space<vmem>> -> memref<128x160xbf16, #tpu.memory_space<vmem>>
    %dma_wait3A_92 = arith.constant 0 : i32
    %dma_wait3A_93 = tpu.memref_slice %arg13[%dma_wait3A_85, %dma_wait3A_92] : memref<5x128xi32, #tpu.memory_space<vmem>> -> memref<1x128xi32, #tpu.memory_space<vmem>>
    %dma_wait3A_94 = tpu.memref_squeeze %dma_wait3A_93 : memref<1x128xi32, #tpu.memory_space<vmem>> -> memref<128xi32, #tpu.memory_space<vmem>>
    %dma_wait3A_95 = arith.constant 0 : i32
    %dma_wait3A_96 = arith.constant 0 : i32
    %dma_wait3A_97 = tpu.memref_slice %arg2[%arg0, %dma_wait3A_95, %dma_wait3A_96] : memref<2x20000x160xbf16, #tpu.memory_space<hbm>> -> memref<1x20000x160xbf16, #tpu.memory_space<hbm>>
    %dma_wait3A_98 = tpu.memref_squeeze %dma_wait3A_97 : memref<1x20000x160xbf16, #tpu.memory_space<hbm>> -> memref<20000x160xbf16, #tpu.memory_space<hbm>>
    %dma_wait3A_99 = arith.constant 0 : i32
    %dma_wait3A_100 = arith.constant 0 : i32
    %dma_wait3A_101 = tpu.memref_slice %dma_wait3A_98[%dma_wait3A_99, %dma_wait3A_100] : memref<20000x160xbf16, #tpu.memory_space<hbm>> -> memref<20000x160xbf16, #tpu.memory_space<hbm>>
    %dma_wait3A_102 = tpu.memref_slice %arg17[%dma_wait3A_87] : memref<5x!tpu.dma_semaphore, #tpu.memory_space<semaphore_mem>> -> memref<1x!tpu.dma_semaphore, #tpu.memory_space<semaphore_mem>>
    %dma_wait3A_103 = tpu.memref_squeeze %dma_wait3A_102 : memref<1x!tpu.dma_semaphore, #tpu.memory_space<semaphore_mem>> -> memref<!tpu.dma_semaphore, #tpu.memory_space<semaphore_mem>>
    tpu.wait_indirect_dma semaphore(%dma_wait3A_103 : memref<!tpu.dma_semaphore, #tpu.memory_space<semaphore_mem>>) src(%dma_wait3A_101 : memref<20000x160xbf16, #tpu.memory_space<hbm>>) dst(%dma_wait3A_91 : memref<128x160xbf16, #tpu.memory_space<vmem>>)
    %dma_start3A_104 = arith.constant 4 : i32
    %dma_start3A_105 = arith.constant 4 : i32
    %dma_start3A_106 = arith.constant 4 : i32
    %dma_start3A_107 = arith.constant 0 : i32
    %dma_start3A_108 = arith.constant 0 : i32
    %dma_start3A_109 = tpu.memref_slice %arg15[%dma_start3A_104, %dma_start3A_107, %dma_start3A_108] : memref<5x128x160xbf16, #tpu.memory_space<vmem>> -> memref<1x128x160xbf16, #tpu.memory_space<vmem>>
    %dma_start3A_110 = tpu.memref_squeeze %dma_start3A_109 : memref<1x128x160xbf16, #tpu.memory_space<vmem>> -> memref<128x160xbf16, #tpu.memory_space<vmem>>
    %dma_start3A_111 = arith.constant 0 : i32
    %dma_start3A_112 = tpu.memref_slice %arg14[%dma_start3A_105, %dma_start3A_111] : memref<5x128xi32, #tpu.memory_space<vmem>> -> memref<1x128xi32, #tpu.memory_space<vmem>>
    %dma_start3A_113 = tpu.memref_squeeze %dma_start3A_112 : memref<1x128xi32, #tpu.memory_space<vmem>> -> memref<128xi32, #tpu.memory_space<vmem>>
    %dma_start3A_114 = arith.constant 0 : i32
    %dma_start3A_115 = arith.constant 0 : i32
    %dma_start3A_116 = tpu.memref_slice %arg16[%dma_start3A_114, %dma_start3A_115] : memref<10112x160xbf16, #tpu.memory_space<vmem_shared>> -> memref<10112x160xbf16, #tpu.memory_space<vmem_shared>>
    %dma_start3A_117 = tpu.memref_slice %arg18[%dma_start3A_106] : memref<5x!tpu.dma_semaphore, #tpu.memory_space<semaphore_mem>> -> memref<1x!tpu.dma_semaphore, #tpu.memory_space<semaphore_mem>>
    %dma_start3A_118 = tpu.memref_squeeze %dma_start3A_117 : memref<1x!tpu.dma_semaphore, #tpu.memory_space<semaphore_mem>> -> memref<!tpu.dma_semaphore, #tpu.memory_space<semaphore_mem>>
    tpu.enqueue_indirect_dma source(%dma_start3A_110 : memref<128x160xbf16, #tpu.memory_space<vmem>>) target(%dma_start3A_116 : memref<10112x160xbf16, #tpu.memory_space<vmem_shared>>) offsets(%dma_start3A_113 : memref<128xi32, #tpu.memory_space<vmem>>) semaphore(%dma_start3A_118 : memref<!tpu.dma_semaphore, #tpu.memory_space<semaphore_mem>>) {add = true}
    %dma_wait3A_119 = arith.constant 0 : i32
    %dma_wait3A_120 = arith.constant 0 : i32
    %dma_wait3A_121 = arith.constant 0 : i32
    %dma_wait3A_122 = arith.constant 0 : i32
    %dma_wait3A_123 = arith.constant 0 : i32
    %dma_wait3A_124 = tpu.memref_slice %arg15[%dma_wait3A_119, %dma_wait3A_122, %dma_wait3A_123] : memref<5x128x160xbf16, #tpu.memory_space<vmem>> -> memref<1x128x160xbf16, #tpu.memory_space<vmem>>
    %dma_wait3A_125 = tpu.memref_squeeze %dma_wait3A_124 : memref<1x128x160xbf16, #tpu.memory_space<vmem>> -> memref<128x160xbf16, #tpu.memory_space<vmem>>
    %dma_wait3A_126 = arith.constant 0 : i32
    %dma_wait3A_127 = tpu.memref_slice %arg14[%dma_wait3A_120, %dma_wait3A_126] : memref<5x128xi32, #tpu.memory_space<vmem>> -> memref<1x128xi32, #tpu.memory_space<vmem>>
    %dma_wait3A_128 = tpu.memref_squeeze %dma_wait3A_127 : memref<1x128xi32, #tpu.memory_space<vmem>> -> memref<128xi32, #tpu.memory_space<vmem>>
    %dma_wait3A_129 = arith.constant 0 : i32
    %dma_wait3A_130 = arith.constant 0 : i32
    %dma_wait3A_131 = tpu.memref_slice %arg16[%dma_wait3A_129, %dma_wait3A_130] : memref<10112x160xbf16, #tpu.memory_space<vmem_shared>> -> memref<10112x160xbf16, #tpu.memory_space<vmem_shared>>
    %dma_wait3A_132 = tpu.memref_slice %arg18[%dma_wait3A_121] : memref<5x!tpu.dma_semaphore, #tpu.memory_space<semaphore_mem>> -> memref<1x!tpu.dma_semaphore, #tpu.memory_space<semaphore_mem>>
    %dma_wait3A_133 = tpu.memref_squeeze %dma_wait3A_132 : memref<1x!tpu.dma_semaphore, #tpu.memory_space<semaphore_mem>> -> memref<!tpu.dma_semaphore, #tpu.memory_space<semaphore_mem>>
    tpu.wait_indirect_dma semaphore(%dma_wait3A_133 : memref<!tpu.dma_semaphore, #tpu.memory_space<semaphore_mem>>) src(%dma_wait3A_125 : memref<128x160xbf16, #tpu.memory_space<vmem>>) dst(%dma_wait3A_131 : memref<10112x160xbf16, #tpu.memory_space<vmem_shared>>)
    %dma_wait3A_134 = arith.constant 1 : i32
    %dma_wait3A_135 = arith.constant 1 : i32
    %dma_wait3A_136 = arith.constant 1 : i32
    %dma_wait3A_137 = arith.constant 0 : i32
    %dma_wait3A_138 = arith.constant 0 : i32
    %dma_wait3A_139 = tpu.memref_slice %arg15[%dma_wait3A_134, %dma_wait3A_137, %dma_wait3A_138] : memref<5x128x160xbf16, #tpu.memory_space<vmem>> -> memref<1x128x160xbf16, #tpu.memory_space<vmem>>
    %dma_wait3A_140 = tpu.memref_squeeze %dma_wait3A_139 : memref<1x128x160xbf16, #tpu.memory_space<vmem>> -> memref<128x160xbf16, #tpu.memory_space<vmem>>
    %dma_wait3A_141 = arith.constant 0 : i32
    %dma_wait3A_142 = tpu.memref_slice %arg14[%dma_wait3A_135, %dma_wait3A_141] : memref<5x128xi32, #tpu.memory_space<vmem>> -> memref<1x128xi32, #tpu.memory_space<vmem>>
    %dma_wait3A_143 = tpu.memref_squeeze %dma_wait3A_142 : memref<1x128xi32, #tpu.memory_space<vmem>> -> memref<128xi32, #tpu.memory_space<vmem>>
    %dma_wait3A_144 = arith.constant 0 : i32
    %dma_wait3A_145 = arith.constant 0 : i32
    %dma_wait3A_146 = tpu.memref_slice %arg16[%dma_wait3A_144, %dma_wait3A_145] : memref<10112x160xbf16, #tpu.memory_space<vmem_shared>> -> memref<10112x160xbf16, #tpu.memory_space<vmem_shared>>
    %dma_wait3A_147 = tpu.memref_slice %arg18[%dma_wait3A_136] : memref<5x!tpu.dma_semaphore, #tpu.memory_space<semaphore_mem>> -> memref<1x!tpu.dma_semaphore, #tpu.memory_space<semaphore_mem>>
    %dma_wait3A_148 = tpu.memref_squeeze %dma_wait3A_147 : memref<1x!tpu.dma_semaphore, #tpu.memory_space<semaphore_mem>> -> memref<!tpu.dma_semaphore, #tpu.memory_space<semaphore_mem>>
    tpu.wait_indirect_dma semaphore(%dma_wait3A_148 : memref<!tpu.dma_semaphore, #tpu.memory_space<semaphore_mem>>) src(%dma_wait3A_140 : memref<128x160xbf16, #tpu.memory_space<vmem>>) dst(%dma_wait3A_146 : memref<10112x160xbf16, #tpu.memory_space<vmem_shared>>)
    %dma_wait3A_149 = arith.constant 2 : i32
    %dma_wait3A_150 = arith.constant 2 : i32
    %dma_wait3A_151 = arith.constant 2 : i32
    %dma_wait3A_152 = arith.constant 0 : i32
    %dma_wait3A_153 = arith.constant 0 : i32
    %dma_wait3A_154 = tpu.memref_slice %arg15[%dma_wait3A_149, %dma_wait3A_152, %dma_wait3A_153] : memref<5x128x160xbf16, #tpu.memory_space<vmem>> -> memref<1x128x160xbf16, #tpu.memory_space<vmem>>
    %dma_wait3A_155 = tpu.memref_squeeze %dma_wait3A_154 : memref<1x128x160xbf16, #tpu.memory_space<vmem>> -> memref<128x160xbf16, #tpu.memory_space<vmem>>
    %dma_wait3A_156 = arith.constant 0 : i32
    %dma_wait3A_157 = tpu.memref_slice %arg14[%dma_wait3A_150, %dma_wait3A_156] : memref<5x128xi32, #tpu.memory_space<vmem>> -> memref<1x128xi32, #tpu.memory_space<vmem>>
    %dma_wait3A_158 = tpu.memref_squeeze %dma_wait3A_157 : memref<1x128xi32, #tpu.memory_space<vmem>> -> memref<128xi32, #tpu.memory_space<vmem>>
    %dma_wait3A_159 = arith.constant 0 : i32
    %dma_wait3A_160 = arith.constant 0 : i32
    %dma_wait3A_161 = tpu.memref_slice %arg16[%dma_wait3A_159, %dma_wait3A_160] : memref<10112x160xbf16, #tpu.memory_space<vmem_shared>> -> memref<10112x160xbf16, #tpu.memory_space<vmem_shared>>
    %dma_wait3A_162 = tpu.memref_slice %arg18[%dma_wait3A_151] : memref<5x!tpu.dma_semaphore, #tpu.memory_space<semaphore_mem>> -> memref<1x!tpu.dma_semaphore, #tpu.memory_space<semaphore_mem>>
    %dma_wait3A_163 = tpu.memref_squeeze %dma_wait3A_162 : memref<1x!tpu.dma_semaphore, #tpu.memory_space<semaphore_mem>> -> memref<!tpu.dma_semaphore, #tpu.memory_space<semaphore_mem>>
    tpu.wait_indirect_dma semaphore(%dma_wait3A_163 : memref<!tpu.dma_semaphore, #tpu.memory_space<semaphore_mem>>) src(%dma_wait3A_155 : memref<128x160xbf16, #tpu.memory_space<vmem>>) dst(%dma_wait3A_161 : memref<10112x160xbf16, #tpu.memory_space<vmem_shared>>)
    %dma_wait3A_164 = arith.constant 3 : i32
    %dma_wait3A_165 = arith.constant 3 : i32
    %dma_wait3A_166 = arith.constant 3 : i32
    %dma_wait3A_167 = arith.constant 0 : i32
    %dma_wait3A_168 = arith.constant 0 : i32
    %dma_wait3A_169 = tpu.memref_slice %arg15[%dma_wait3A_164, %dma_wait3A_167, %dma_wait3A_168] : memref<5x128x160xbf16, #tpu.memory_space<vmem>> -> memref<1x128x160xbf16, #tpu.memory_space<vmem>>
    %dma_wait3A_170 = tpu.memref_squeeze %dma_wait3A_169 : memref<1x128x160xbf16, #tpu.memory_space<vmem>> -> memref<128x160xbf16, #tpu.memory_space<vmem>>
    %dma_wait3A_171 = arith.constant 0 : i32
    %dma_wait3A_172 = tpu.memref_slice %arg14[%dma_wait3A_165, %dma_wait3A_171] : memref<5x128xi32, #tpu.memory_space<vmem>> -> memref<1x128xi32, #tpu.memory_space<vmem>>
    %dma_wait3A_173 = tpu.memref_squeeze %dma_wait3A_172 : memref<1x128xi32, #tpu.memory_space<vmem>> -> memref<128xi32, #tpu.memory_space<vmem>>
    %dma_wait3A_174 = arith.constant 0 : i32
    %dma_wait3A_175 = arith.constant 0 : i32
    %dma_wait3A_176 = tpu.memref_slice %arg16[%dma_wait3A_174, %dma_wait3A_175] : memref<10112x160xbf16, #tpu.memory_space<vmem_shared>> -> memref<10112x160xbf16, #tpu.memory_space<vmem_shared>>
    %dma_wait3A_177 = tpu.memref_slice %arg18[%dma_wait3A_166] : memref<5x!tpu.dma_semaphore, #tpu.memory_space<semaphore_mem>> -> memref<1x!tpu.dma_semaphore, #tpu.memory_space<semaphore_mem>>
    %dma_wait3A_178 = tpu.memref_squeeze %dma_wait3A_177 : memref<1x!tpu.dma_semaphore, #tpu.memory_space<semaphore_mem>> -> memref<!tpu.dma_semaphore, #tpu.memory_space<semaphore_mem>>
    tpu.wait_indirect_dma semaphore(%dma_wait3A_178 : memref<!tpu.dma_semaphore, #tpu.memory_space<semaphore_mem>>) src(%dma_wait3A_170 : memref<128x160xbf16, #tpu.memory_space<vmem>>) dst(%dma_wait3A_176 : memref<10112x160xbf16, #tpu.memory_space<vmem_shared>>)
    %dma_wait3A_179 = arith.constant 4 : i32
    %dma_wait3A_180 = arith.constant 4 : i32
    %dma_wait3A_181 = arith.constant 4 : i32
    %dma_wait3A_182 = arith.constant 0 : i32
    %dma_wait3A_183 = arith.constant 0 : i32
    %dma_wait3A_184 = tpu.memref_slice %arg15[%dma_wait3A_179, %dma_wait3A_182, %dma_wait3A_183] : memref<5x128x160xbf16, #tpu.memory_space<vmem>> -> memref<1x128x160xbf16, #tpu.memory_space<vmem>>
    %dma_wait3A_185 = tpu.memref_squeeze %dma_wait3A_184 : memref<1x128x160xbf16, #tpu.memory_space<vmem>> -> memref<128x160xbf16, #tpu.memory_space<vmem>>
    %dma_wait3A_186 = arith.constant 0 : i32
    %dma_wait3A_187 = tpu.memref_slice %arg14[%dma_wait3A_180, %dma_wait3A_186] : memref<5x128xi32, #tpu.memory_space<vmem>> -> memref<1x128xi32, #tpu.memory_space<vmem>>
    %dma_wait3A_188 = tpu.memref_squeeze %dma_wait3A_187 : memref<1x128xi32, #tpu.memory_space<vmem>> -> memref<128xi32, #tpu.memory_space<vmem>>
    %dma_wait3A_189 = arith.constant 0 : i32
    %dma_wait3A_190 = arith.constant 0 : i32
    %dma_wait3A_191 = tpu.memref_slice %arg16[%dma_wait3A_189, %dma_wait3A_190] : memref<10112x160xbf16, #tpu.memory_space<vmem_shared>> -> memref<10112x160xbf16, #tpu.memory_space<vmem_shared>>
    %dma_wait3A_192 = tpu.memref_slice %arg18[%dma_wait3A_181] : memref<5x!tpu.dma_semaphore, #tpu.memory_space<semaphore_mem>> -> memref<1x!tpu.dma_semaphore, #tpu.memory_space<semaphore_mem>>
    %dma_wait3A_193 = tpu.memref_squeeze %dma_wait3A_192 : memref<1x!tpu.dma_semaphore, #tpu.memory_space<semaphore_mem>> -> memref<!tpu.dma_semaphore, #tpu.memory_space<semaphore_mem>>
    tpu.wait_indirect_dma semaphore(%dma_wait3A_193 : memref<!tpu.dma_semaphore, #tpu.memory_space<semaphore_mem>>) src(%dma_wait3A_185 : memref<128x160xbf16, #tpu.memory_space<vmem>>) dst(%dma_wait3A_191 : memref<10112x160xbf16, #tpu.memory_space<vmem_shared>>)
    %barrier3A_194 = arith.constant 0 : index
    tpu.barrier barrier_id(%barrier3A_194)
    "tpu.region"() ({
      %run_scoped3A = tpu.sem_alloc : memref<!tpu.dma_semaphore, #tpu.memory_space<semaphore_mem>>
      %dma_start3A_195 = arith.constant 0 : i32
      %dma_start3A_196 = arith.constant 0 : i32
      %dma_start3A_197 = tpu.memref_slice %arg8[%arg0, %dma_start3A_195, %dma_start3A_196] : memref<2x10112x160xbf16, #tpu.memory_space<hbm>> -> memref<1x10112x160xbf16, #tpu.memory_space<hbm>>
      %dma_start3A_198 = tpu.memref_squeeze %dma_start3A_197 : memref<1x10112x160xbf16, #tpu.memory_space<hbm>> -> memref<10112x160xbf16, #tpu.memory_space<hbm>>
      %dma_start3A_199 = arith.constant 0 : i32
      %dma_start3A_200 = tpu.memref_slice %dma_start3A_198[%mul3A_4, %dma_start3A_199] : memref<10112x160xbf16, #tpu.memory_space<hbm>> -> memref<632x160xbf16, #tpu.memory_space<hbm>>
      %dma_start3A_201 = arith.constant 0 : i32
      %dma_start3A_202 = tpu.memref_slice %arg16[%mul3A_4, %dma_start3A_201] : memref<10112x160xbf16, #tpu.memory_space<vmem_shared>> -> memref<632x160xbf16, #tpu.memory_space<vmem_shared>>
      tpu.enqueue_dma source(%dma_start3A_202 : memref<632x160xbf16, #tpu.memory_space<vmem_shared>>) target(%dma_start3A_200 : memref<632x160xbf16, #tpu.memory_space<hbm>>) target_semaphore(%run_scoped3A : memref<!tpu.dma_semaphore, #tpu.memory_space<semaphore_mem>>)
      %dma_wait3A_203 = arith.constant 0 : i32
      %dma_wait3A_204 = arith.constant 0 : i32
      %dma_wait3A_205 = tpu.memref_slice %arg8[%arg0, %dma_wait3A_203, %dma_wait3A_204] : memref<2x10112x160xbf16, #tpu.memory_space<hbm>> -> memref<1x10112x160xbf16, #tpu.memory_space<hbm>>
      %dma_wait3A_206 = tpu.memref_squeeze %dma_wait3A_205 : memref<1x10112x160xbf16, #tpu.memory_space<hbm>> -> memref<10112x160xbf16, #tpu.memory_space<hbm>>
      %dma_wait3A_207 = arith.constant 0 : i32
      %dma_wait3A_208 = tpu.memref_slice %dma_wait3A_206[%mul3A_4, %dma_wait3A_207] : memref<10112x160xbf16, #tpu.memory_space<hbm>> -> memref<632x160xbf16, #tpu.memory_space<hbm>>
      %dma_wait3A_209 = arith.constant 0 : i32
      %dma_wait3A_210 = tpu.memref_slice %arg16[%mul3A_4, %dma_wait3A_209] : memref<10112x160xbf16, #tpu.memory_space<vmem_shared>> -> memref<632x160xbf16, #tpu.memory_space<vmem_shared>>
      tpu.wait_dma2 semaphore(%run_scoped3A : memref<!tpu.dma_semaphore, #tpu.memory_space<semaphore_mem>>) src(%dma_wait3A_210 : memref<632x160xbf16, #tpu.memory_space<vmem_shared>>) dst(%dma_wait3A_208 : memref<632x160xbf16, #tpu.memory_space<hbm>>)
      tpu.yield
    }) : () -> ()
    return
  }
}

module attributes {stable_mosaic.version = 14 : i64} {
  func.func @_s1_body(%arg0: i32, %arg1: memref<1000x128xf32, #tpu.memory_space<vmem>>, %arg2: memref<128x128xf32, #tpu.memory_space<vmem>>, %arg3: memref<1000x160xbf16, #tpu.memory_space<vmem>>, %arg4: memref<1000x160xbf16, #tpu.memory_space<vmem>>) attributes {dimension_semantics = [#tpu.dimension_semantics<arbitrary>], iteration_bounds = array<i64: 20>, scalar_prefetch = 0 : i64, scratch_operands = 0 : i64, tpu.core_type = #tpu.core_type<tc>, window_params = [{transform_indices = @transform_0, window_bounds = array<i64: 1000, 128>}, {pipeline_mode = #tpu.pipeline_mode<synchronous>, transform_indices = @transform_1, window_bounds = array<i64: 128, 128>}, {transform_indices = @transform_2, window_bounds = array<i64: 1000, 160>}, {transform_indices = @transform_3, window_bounds = array<i64: 1000, 160>}]} {
    %lt3A = arith.constant 10 : i32
    %lt3A_0 = arith.cmpi slt, %arg0, %lt3A : i32
    %jit3A = arith.constant 1.000000e+00 : f32
    %jit3A_1 = arith.constant 5.000000e-01 : f32
    %select_n3A = arith.select %lt3A_0, %jit3A, %jit3A_1 : f32
    %get3A = arith.constant 0 : index
    %get3A_2 = arith.constant 0 : index
    %get3A_3 = vector.load %arg1[%get3A, %get3A_2] : memref<1000x128xf32, #tpu.memory_space<vmem>>, vector<1000x128xf32>
    %get3A_4 = arith.constant 0 : index
    %get3A_5 = arith.constant 0 : index
    %get3A_6 = vector.load %arg2[%get3A_4, %get3A_5] : memref<128x128xf32, #tpu.memory_space<vmem>>, vector<128x128xf32>
    %dot_general3A = arith.constant dense<0.000000e+00> : vector<1000x128xf32>
    %dot_general3A_7 = tpu.matmul %get3A_3, %get3A_6, %dot_general3A {dimension_numbers = #tpu.dot_dimension_numbers<[1], [0], [0], [1], [0, 0, 1, 1], [], []>, transpose_lhs_hint = false} : vector<1000x128xf32>, vector<128x128xf32>, vector<1000x128xf32> -> vector<1000x128xf32>
    %mul3A = vector.broadcast %select_n3A : f32 to vector<1000x128xf32>
    %mul3A_8 = arith.mulf %dot_general3A_7, %mul3A : vector<1000x128xf32>
    %convert_element_type3A = arith.truncf %mul3A_8 : vector<1000x128xf32> to vector<1000x128xbf16>
    %iota3A = tpu.iota {dimensions = array<i32: 1>} : vector<1000x32xi32>
    %eq3A = arith.constant 0 : i32
    %eq3A_9 = vector.broadcast %eq3A : i32 to vector<1000x32xi32>
    %eq3A_10 = arith.cmpi eq, %iota3A, %eq3A_9 : vector<1000x32xi32>
    %jit3A_11 = arith.constant 1.000000e+00 : f32
    %jit3A_12 = arith.constant 0.000000e+00 : f32
    %broadcast_in_dim3A = vector.broadcast %jit3A_11 : f32 to vector<1000x32xf32>
    %broadcast_in_dim3A_13 = vector.broadcast %jit3A_12 : f32 to vector<1000x32xf32>
    %select_n3A_14 = arith.select %eq3A_10, %broadcast_in_dim3A, %broadcast_in_dim3A_13 : vector<1000x32xi1>, vector<1000x32xf32>
    %convert_element_type3A_15 = arith.truncf %select_n3A_14 : vector<1000x32xf32> to vector<1000x32xbf16>
    %swap3A = arith.constant 0 : index
    %swap3A_16 = arith.constant 0 : index
    %swap3A_17 = vector.load %arg3[%swap3A, %swap3A_16] : memref<1000x160xbf16, #tpu.memory_space<vmem>>, vector<1000x128xbf16>
    tpu.vector_store %arg3[%swap3A, %swap3A_16], %convert_element_type3A {strides = array<i32>} : memref<1000x160xbf16, #tpu.memory_space<vmem>>, vector<1000x128xbf16>,
    %swap3A_18 = arith.constant 0 : index
    %swap3A_19 = arith.constant 128 : index
    %swap3A_20 = vector.load %arg3[%swap3A_18, %swap3A_19] : memref<1000x160xbf16, #tpu.memory_space<vmem>>, vector<1000x32xbf16>
    tpu.vector_store %arg3[%swap3A_18, %swap3A_19], %convert_element_type3A_15 {strides = array<i32>} : memref<1000x160xbf16, #tpu.memory_space<vmem>>, vector<1000x32xbf16>,
    %swap3A_21 = arith.constant 0 : index
    %swap3A_22 = arith.constant 0 : index
    %swap3A_23 = vector.load %arg4[%swap3A_21, %swap3A_22] : memref<1000x160xbf16, #tpu.memory_space<vmem>>, vector<1000x128xbf16>
    tpu.vector_store %arg4[%swap3A_21, %swap3A_22], %convert_element_type3A {strides = array<i32>} : memref<1000x160xbf16, #tpu.memory_space<vmem>>, vector<1000x128xbf16>,
    %swap3A_24 = arith.constant 0 : index
    %swap3A_25 = arith.constant 128 : index
    %swap3A_26 = vector.load %arg4[%swap3A_24, %swap3A_25] : memref<1000x160xbf16, #tpu.memory_space<vmem>>, vector<1000x32xbf16>
    tpu.vector_store %arg4[%swap3A_24, %swap3A_25], %convert_element_type3A_15 {strides = array<i32>} : memref<1000x160xbf16, #tpu.memory_space<vmem>>, vector<1000x32xbf16>,
    return
  }
  func.func @transform_0(%arg0: i32) -> (i32, i32) {
    %jit3A = arith.constant 10 : i32
    %eq3A = arith.constant 0 : i32
    %eq3A_0 = arith.cmpi eq, %jit3A, %eq3A : i32
    %jit3A_1 = arith.constant 1 : i32
    %select_n3A = arith.select %eq3A_0, %jit3A_1, %jit3A : i32
    %rem3A = arith.remsi %arg0, %select_n3A : i32
    %ne3A = arith.constant 0 : i32
    %ne3A_2 = arith.cmpi ne, %rem3A, %ne3A : i32
    %lt3A = arith.constant 0 : i32
    %lt3A_3 = arith.cmpi slt, %rem3A, %lt3A : i32
    %lt3A_4 = arith.constant 0 : i32
    %lt3A_5 = arith.cmpi slt, %select_n3A, %lt3A_4 : i32
    %ne3A_6 = arith.xori %lt3A_3, %lt3A_5 : i1
    %and3A = arith.andi %ne3A_6, %ne3A_2 : i1
    %add3A = arith.addi %rem3A, %select_n3A : i32
    %select_n3A_7 = arith.select %and3A, %add3A, %rem3A : i32
    %c0_i32 = arith.constant 0 : i32
    %c0_i32_8 = arith.constant 0 : i32
    return %select_n3A_7, %c0_i32 : i32, i32
  }
  func.func @transform_1(%arg0: i32) -> (i32, i32) {
    %c0_i32 = arith.constant 0 : i32
    %c0_i32_0 = arith.constant 0 : i32
    %c0_i32_1 = arith.constant 0 : i32
    return %c0_i32, %c0_i32_0 : i32, i32
  }
  func.func @transform_2(%arg0: i32) -> (i32, i32) {
    %c0_i32 = arith.constant 0 : i32
    %c0_i32_0 = arith.constant 0 : i32
    return %arg0, %c0_i32 : i32, i32
  }
  func.func @transform_3(%arg0: i32) -> (i32, i32) {
    %c0_i32 = arith.constant 0 : i32
    %c0_i32_0 = arith.constant 0 : i32
    return %arg0, %c0_i32 : i32, i32
  }
}

module attributes {stable_mosaic.version = 14 : i64} {
  func.func @_s3_body(%arg0: memref<2x10112x160xbf16, #tpu.memory_space<vmem>>, %arg1: memref<10000x128xf32, #tpu.memory_space<vmem>>, %arg2: memref<1x128xf32, #tpu.memory_space<vmem>>, %arg3: memref<1x128xf32, #tpu.memory_space<vmem>>, %arg4: memref<10000x128xf32, #tpu.memory_space<vmem>>) attributes {dimension_semantics = [], scalar_prefetch = 0 : i64, scratch_operands = 0 : i64, tpu.core_type = #tpu.core_type<tc>} {
    %get3A = arith.constant 0 : index
    %get3A_0 = arith.constant 0 : index
    %get3A_1 = arith.constant 0 : index
    %get3A_2 = vector.load %arg0[%get3A, %get3A_0, %get3A_1] : memref<2x10112x160xbf16, #tpu.memory_space<vmem>>, vector<1x10000x160xbf16>
    %get3A_3 = vector.shape_cast %get3A_2 : vector<1x10000x160xbf16> to vector<10000x160xbf16>
    %convert_element_type3A = arith.extf %get3A_3 : vector<10000x160xbf16> to vector<10000x160xf32>
    %get3A_4 = arith.constant 1 : index
    %get3A_5 = arith.constant 0 : index
    %get3A_6 = arith.constant 0 : index
    %get3A_7 = vector.load %arg0[%get3A_4, %get3A_5, %get3A_6] : memref<2x10112x160xbf16, #tpu.memory_space<vmem>>, vector<1x10000x160xbf16>
    %get3A_8 = vector.shape_cast %get3A_7 : vector<1x10000x160xbf16> to vector<10000x160xbf16>
    %convert_element_type3A_9 = arith.extf %get3A_8 : vector<10000x160xbf16> to vector<10000x160xf32>
    %add3A = arith.addf %convert_element_type3A, %convert_element_type3A_9 : vector<10000x160xf32>
    %slice3A = vector.extract_strided_slice %add3A {offsets = [0, 0], sizes = [10000, 128], strides = [1, 1]} : vector<10000x160xf32> to vector<10000x128xf32>
    %slice3A_10 = vector.extract_strided_slice %add3A {offsets = [0, 128], sizes = [10000, 1], strides = [1, 1]} : vector<10000x160xf32> to vector<10000x1xf32>
    %max3A = arith.constant 1.000000e+00 : f32
    %max3A_11 = vector.broadcast %max3A : f32 to vector<10000x1xf32>
    %max3A_12 = arith.maximumf %slice3A_10, %max3A_11 : vector<10000x1xf32>
    %div3A = vector.broadcast %max3A_12 : vector<10000x1xf32> to vector<10000x128xf32>
    %div3A_13 = arith.divf %slice3A, %div3A : vector<10000x128xf32>
    %get3A_14 = arith.constant 0 : index
    %get3A_15 = arith.constant 0 : index
    %get3A_16 = vector.load %arg1[%get3A_14, %get3A_15] : memref<10000x128xf32, #tpu.memory_space<vmem>>, vector<10000x128xf32>
    %add3A_17 = arith.addf %div3A_13, %get3A_16 : vector<10000x128xf32>
    %reduce_sum3A = arith.constant dense<0.000000e+00> : vector<128xf32>
    %reduce_sum3A_18 = vector.multi_reduction <add>, %add3A_17, %reduce_sum3A [0] : vector<10000x128xf32> to vector<128xf32>
    %broadcast_in_dim3A = vector.shape_cast %reduce_sum3A_18 : vector<128xf32> to vector<1x128xf32>
    %div3A_19 = arith.constant 1.000000e+04 : f32
    %div3A_20 = vector.broadcast %div3A_19 : f32 to vector<1x128xf32>
    %div3A_21 = arith.divf %broadcast_in_dim3A, %div3A_20 : vector<1x128xf32>
    %mul3A = arith.mulf %add3A_17, %add3A_17 : vector<10000x128xf32>
    %reduce_sum3A_22 = arith.constant dense<0.000000e+00> : vector<128xf32>
    %reduce_sum3A_23 = vector.multi_reduction <add>, %mul3A, %reduce_sum3A_22 [0] : vector<10000x128xf32> to vector<128xf32>
    %broadcast_in_dim3A_24 = vector.shape_cast %reduce_sum3A_23 : vector<128xf32> to vector<1x128xf32>
    %div3A_25 = arith.constant 1.000000e+04 : f32
    %div3A_26 = vector.broadcast %div3A_25 : f32 to vector<1x128xf32>
    %div3A_27 = arith.divf %broadcast_in_dim3A_24, %div3A_26 : vector<1x128xf32>
    %mul3A_28 = arith.mulf %div3A_21, %div3A_21 : vector<1x128xf32>
    %sub3A = arith.subf %div3A_27, %mul3A_28 : vector<1x128xf32>
    %add3A_29 = arith.constant 9.99999974E-6 : f32
    %add3A_30 = vector.broadcast %add3A_29 : f32 to vector<1x128xf32>
    %add3A_31 = arith.addf %sub3A, %add3A_30 : vector<1x128xf32>
    %rsqrt3A = math.rsqrt %add3A_31 : vector<1x128xf32>
    %sub3A_32 = vector.broadcast %div3A_21 : vector<1x128xf32> to vector<10000x128xf32>
    %sub3A_33 = arith.subf %add3A_17, %sub3A_32 : vector<10000x128xf32>
    %mul3A_34 = vector.broadcast %rsqrt3A : vector<1x128xf32> to vector<10000x128xf32>
    %mul3A_35 = arith.mulf %sub3A_33, %mul3A_34 : vector<10000x128xf32>
    %get3A_36 = arith.constant 0 : index
    %get3A_37 = arith.constant 0 : index
    %get3A_38 = vector.load %arg2[%get3A_36, %get3A_37] : memref<1x128xf32, #tpu.memory_space<vmem>>, vector<1x128xf32>
    %mul3A_39 = vector.broadcast %get3A_38 : vector<1x128xf32> to vector<10000x128xf32>
    %mul3A_40 = arith.mulf %mul3A_35, %mul3A_39 : vector<10000x128xf32>
    %get3A_41 = arith.constant 0 : index
    %get3A_42 = arith.constant 0 : index
    %get3A_43 = vector.load %arg3[%get3A_41, %get3A_42] : memref<1x128xf32, #tpu.memory_space<vmem>>, vector<1x128xf32>
    %add3A_44 = vector.broadcast %get3A_43 : vector<1x128xf32> to vector<10000x128xf32>
    %add3A_45 = arith.addf %mul3A_40, %add3A_44 : vector<10000x128xf32>
    %max3A_46 = arith.constant 0.000000e+00 : f32
    %max3A_47 = vector.broadcast %max3A_46 : f32 to vector<10000x128xf32>
    %max3A_48 = arith.maximumf %add3A_45, %max3A_47 : vector<10000x128xf32>
    %swap3A = arith.constant 0 : index
    %swap3A_49 = arith.constant 0 : index
    %swap3A_50 = vector.load %arg4[%swap3A, %swap3A_49] : memref<10000x128xf32, #tpu.memory_space<vmem>>, vector<10000x128xf32>
    tpu.vector_store %arg4[%swap3A, %swap3A_49], %max3A_48 {strides = array<i32>} : memref<10000x128xf32, #tpu.memory_space<vmem>>, vector<10000x128xf32>,
    return
  }
}

</mosaic_0001>

<sc_bundles>
// kernel: kernel.7.cloned.1.call-start
scs
__scs_entry_jumppad:
0x0: {  	(pc) =	sbr.rel $0x88, $3  }
0x1: {  	(tag) =	ssettag $0x0;
	lr =	simm.s32 $0x1  }
0x2: {  	[smem:$0x3F9B] =	sst lr;
	_ =	strace $0xD0000000  }
0x3: {  	_ = 	snop  }
0x4: {  	_ = 	snop  }
0x5: {  	_ = 	snop  }
0x6: {  	_ = 	snop  }
0x7: {  	_ = 	snop  }
__scs_overlays_trampoline_lowered:
0x8: {  	[smem:$0x3FAA] =	sst s0  }
0x9: {  	[smem:$0x3FAB] =	sst s1  }
0xa: {  	[smem:$0x3FAC] =	sst s2  }
0xb: {  	[smem:$0x3FAD] =	sst s3  }
0xc: {  	[smem:$0x3FAE] =	sst s4  }
0xd: {  	[smem:$0x3FAF] =	sst s5  }
0xe: {  	[smem:$0x3FB0] =	sst s6  }
0xf: {  	[smem:$0x3FB1] =	sst s7  }
0x10: {  	[smem:$0x3FB2] =	sst s8  }
0x11: {  	[smem:$0x3FB3] =	sst s9;
	s0 =	simm.s32 @!p0 $0x0  }
0x12: {  	s1 =	sld [smem:$0x3F99];
	s0 =	simm.s32 @p0 $0x1  }
0x13: {  	[smem:$0x3FB4] =	sst s0;
	s0 =	simm.s32 @!p1 $0x0  }
0x14: {  	s2 =	sld [smem:$0x3F98];
	s0 =	simm.s32 @p1 $0x1  }
0x15: {  	[smem:$0x3FB5] =	sst s0;
	s0 =	simm.s32 @!p2 $0x0  }
0x16: {  	s3 =	sld [smem:$0x3FDB];
	s0 =	simm.s32 @p2 $0x1  }
0x17: {  	s4 =	simm.s32 $0x1BF5;
	[smem:$0x3FB7] =	sst s0  }
0x18: {  	s0 =	sld [smem:$0x3F9A];
	_ =	swait.ge [sflag:s4], $0x0  }
0x19: {  	s7 =	sld [smem:$0x3F9B]  }
0x1a: {  	s8 =	sadd.s32 $0xFFFFE003, lr  }
0x1b: {  	s9 =	sadd.s32 $0xFFFFFEF7, lr;
	s5 =	simm.s32 $0xFFFFFFFF;
	p2 =	slt.u32 s8, $0xFFFFF086  }
0x1c: {  	p1 =	slt.u32 s9, $0xF7A;
	s5 =	simm.s32 @!p2 $0x0  }
0x1d: {  	s5 =	simm.s32 @p1 $0x1;
	p0 =	seq.s32 s7, s2  }
0x1e: {  	s7 =	smul.u32 @!p0 $0xF7A, s2;
	p2 =	seq.s32 @!p0 s5, $0x0  }
0x1f: {  	s9 =	smul.u32 $0xF7A, s1;
	s8 =	simm.s32 @!p0 $0x1BF5;
	p2 =	por !p2, p0  }
0x20: {  	[sflag:s8] =	ssyncset.s32 @!p0 $0xFFFFF086;
	s6 =	sadd.s32 @!p0 s3, s7;
	s7 =	simm.s32 @!p0 $0x108  }
0x21: {  	s3 =	sadd.s32 s3, s9;
	s6 =	sadd.s32 @!p0 $0x88, s6;
	s7 =	simm.s32 @p2 $0x1082  }
0x22: {  	[simem:s7], [sflag:s8] =	dma.local @!p0 [hbm:s6], $0xF7A  }
0x23: {  	s9 =	sor.u32 $0xD0000000, s2;
	s6 =	simm.s32 $0x108;
	_ =	swait.ge @!p0 [sflag:s8], $0x0  }
0x24: {  	s3 =	sadd.s32 $0x88, s3;
	s6 =	simm.s32 @!p1 $0x1082;
	[sflag:s4] =	ssyncset.s32 $0xFFFFF086  }
0x25: {  	[simem:s6], [sflag:s4] =	dma.local [hbm:s3], $0xF7A  }
0x26: {  	[smem:$0x3F9B] =	sst s1;
	(tag) =	ssettag s2;
	_ =	strace s9  }
0x27: {  	s1 =	sld [smem:$0x3FAB]  }
0x28: {  	s2 =	sld [smem:$0x3FAC]  }
0x29: {  	s4 =	sld [smem:$0x3FAE]  }
0x2a: {  	p0 =	seq.s32 s5, $0x0;
	s5 =	sld [smem:$0x3FAF]  }
0x2b: {  	s6 =	sld [smem:$0x3FB0]  }
0x2c: {  	s7 =	sld [smem:$0x3FB1]  }
0x2d: {  	s3 =	simm.s32 $0x108;
	s8 =	sld [smem:$0x3FB2]  }
0x2e: {  	s3 =	simm.s32 @!p0 $0x1082;
	s9 =	sld [smem:$0x3FB3]  }
0x2f: {  	lr =	sadd.s32 s0, s3;
	s0 =	sld [smem:$0x3FAA]  }
0x30: {  	s3 =	sld [smem:$0x3FAD]  }
0x31: {  	[smem:$0x3FB6] =	sst s10  }
0x32: {  	s10 =	sld [smem:$0x3FB4];
	_ =	sdelay $0x3  }
0x33: {  	p0 =	seq.s32 s10, $0x1;
	s10 =	sld [smem:$0x3FB6];
	_ =	sdelay $0x3  }
0x34: {  	[smem:$0x3FB6] =	sst s10  }
0x35: {  	s10 =	sld [smem:$0x3FB5];
	_ =	sdelay $0x3  }
0x36: {  	p1 =	seq.s32 s10, $0x1;
	s10 =	sld [smem:$0x3FB6];
	_ =	sdelay $0x3  }
0x37: {  	[smem:$0x3FB6] =	sst s10  }
0x38: {  	s10 =	sld [smem:$0x3FB7]  }
0x39: {  	_ = 	snop;
	(pc) =	sbr.ind lr, $3  }
0x3a: {  	_ = 	snop  }
0x3b: {  	_ = 	snop  }
0x3c: {  	p2 =	seq.s32 s10, $0x1;
	s10 =	sld [smem:$0x3FB6]  }
0x3d: {  	_ =	shalt  }
0x3e: {  	_ =	shalt  }
0x3f: {  	_ =	shalt  }
0x40: {  	_ =	shalt  }
0x41: {  	_ =	shalt  }
0x42: {  	_ =	shalt  }
0x43: {  	_ =	shalt  }
0x44: {  	_ =	shalt  }
0x45: {  	_ =	shalt  }
0x46: {  	_ =	shalt  }
0x47: {  	_ =	shalt  }
0x48: {  	_ =	shalt  }
0x49: {  	_ =	shalt  }
0x4a: {  	_ =	shalt  }
0x4b: {  	_ =	shalt  }
0x4c: {  	_ =	shalt  }
0x4d: {  	_ =	shalt  }
0x4e: {  	_ =	shalt  }
0x4f: {  	_ =	shalt  }
0x50: {  	_ =	shalt  }
0x51: {  	_ =	shalt  }
0x52: {  	_ =	shalt  }
0x53: {  	_ =	shalt  }
0x54: {  	_ =	shalt  }
0x55: {  	_ =	shalt  }
0x56: {  	_ =	shalt  }
0x57: {  	_ =	shalt  }
0x58: {  	_ =	shalt  }
0x59: {  	_ =	shalt  }
0x5a: {  	_ =	shalt  }
0x5b: {  	_ =	shalt  }
0x5c: {  	_ =	shalt  }
0x5d: {  	_ =	shalt  }
0x5e: {  	_ =	shalt  }
0x5f: {  	_ =	shalt  }
0x60: {  	_ =	shalt  }
0x61: {  	_ =	shalt  }
0x62: {  	_ =	shalt  }
0x63: {  	_ =	shalt  }
0x64: {  	_ =	shalt  }
0x65: {  	_ =	shalt  }
0x66: {  	_ =	shalt  }
0x67: {  	_ =	shalt  }
0x68: {  	_ =	shalt  }
0x69: {  	_ =	shalt  }
0x6a: {  	_ =	shalt  }
0x6b: {  	_ =	shalt  }
0x6c: {  	_ =	shalt  }
0x6d: {  	_ =	shalt  }
0x6e: {  	_ =	shalt  }
0x6f: {  	_ =	shalt  }
0x70: {  	_ =	shalt  }
0x71: {  	_ =	shalt  }
0x72: {  	_ =	shalt  }
0x73: {  	_ =	shalt  }
0x74: {  	_ =	shalt  }
0x75: {  	_ =	shalt  }
0x76: {  	_ =	shalt  }
0x77: {  	_ =	shalt  }
0x78: {  	_ =	shalt  }
0x79: {  	_ =	shalt  }
0x7a: {  	_ =	shalt  }
0x7b: {  	_ =	shalt  }
0x7c: {  	_ =	shalt  }
0x7d: {  	_ =	shalt  }
0x7e: {  	_ =	shalt  }
0x7f: {  	_ =	shalt  }
0x80: {  	_ =	shalt  }
0x81: {  	_ =	shalt  }
0x82: {  	_ =	shalt  }
0x83: {  	_ =	shalt  }
0x84: {  	_ =	shalt  }
0x85: {  	_ =	shalt  }
0x86: {  	_ =	shalt  }
0x87: {  	_ =	shalt  }
.Lfunc_end0:
.L_simem_size_0:
called_computation_lowered:
.L_overlay_start_0:
0x88: {  	s2 =	sld [smem:$0x3FD9]  }
0x89: {  	s3 =	sld [smem:$0x3FFE];
	_ =	sdelay $0x1  }
0x8a: {  	s1 =	srdreg.scid  }
0x8b: {  	s0 =	sand.u32 $0x1, s1  }
0x8c: {  	s17 =	sshll.u32 s0, $0xA;
	s2 =	sadd.s32 s3, s2  }
0x8d: {  	s2 =	sadd.s32 s2, s17  }
0x8e: {  	[smem:$0x3FC2] =	sst s2  }
0x8f: {  	_ = 	snop  }
0x90: {  	s2 =	sld [smem:$0x3FD0];
	(tm) =	ssettm $0x1  }
0x91: {  	s18 =	sld [smem:$0x3FFB];
	_ =	sdelay $0x3  }
0x92: {  	_ =	strace s18  }
0x93: {  	s3 =	sld [smem:$0x3FFC];
	_ =	sdelay $0x3  }
0x94: {  	_ =	strace s3  }
0x95: {  	s3 =	sld [smem:$0x3FFD];
	_ =	sdelay $0x3  }
0x96: {  	_ =	strace s3  }
0x97: {  	_ =	strace $0x8FFFFFFF  }
0x98: {  	s19 =	sld [smem:$0x3FDB];
	_ =	sdelay $0x1  }
0x99: {  	s4 =	simm.s32 $_scs_section_size  }
0x9a: {  	s5 =	simm.s32 $_size__tile_overlayer_lowered;
	s6 =	simm.s32 $_tile_overlayer_lowered  }
0x9b: {  	s22 =	simm.s32 $0x1BFF;
	s21 =	sshll.u32 s6, $0x1;
	s3 =	sadd.s32 s4, s19  }
0x9c: {  	s7 =	simm.s32 $0x0;
	s20 =	sshll.u32 s5, $0x1;
	s5 =	sadd.s32 s21, s3  }
0x9d: {  	[timem:s7], [sflag:s22] =	dma.local [hbm:s5], s20  }
0x9e: {  	_ =	swait.ge [sflag:s22], s20  }
0x9f: {  	s4 =	ssub.s32 $0x0, s20;
	[sflag:s22] =	ssyncset.done $0x0  }
0xa0: {  	[sflag:s22] =	ssyncadd.s32 s4;
	_ =	sdelay $0x1  }
0xa1: {  	s23 =	simm.s32 $0x1B8B  }
0xa2: {  	_ =	swait.ge [sflag:s23], $0x1  }
0xa3: {  	[sflag:s23] =	ssyncset.done $0x0  }
0xa4: {  	s25 =	simm.s32 $0x1B8E;
	s24 =	sld [smem:$0x3FFE];
	[sflag:s23] =	ssyncadd.s32 $0xFFFFFFFF  }
0xa5: {  	s26 =	simm.s32 $execute0_lowered;
	[smem:$0x3FD2] =	sst s25  }
0xa6: {  	s5 =	sshll.u32 s26, $0x1;
	_ =	strace $0x80000046;
	[dreg:$0x1] =	wrdreg $0xFFFFFFFF  }
0xa7: {  	s28 =	simm.s32 $_size_execute0_lowered;
	s3 =	sadd.s32 s3, s5;
	[dreg:$0x0] =	wrdreg $0x0  }
0xa8: {  	s5 =	sshll.u32 s28, $0x1;
	[dreg:$0x2] =	wrdreg s3  }
0xa9: {  	[dreg:$0x3] =	wrdreg s5  }
0xaa: {  	[dreg:$0x4] =	wrdreg $0xC0  }
0xab: {  	_ =	task [dreg:s7], $0x5FFFF  }
0xac: {  	[dreg:$0x1] =	wrdreg $0xFFFFFFFF  }
0xad: {  	[dreg:$0x0] =	wrdreg $0x60  }
0xae: {  	[dreg:$0x2] =	wrdreg s24  }
0xaf: {  	[dreg:$0x3] =	wrdreg s2  }
0xb0: {  	[dreg:$0x4] =	wrdreg $0xED000  }
0xb1: {  	[dreg:$0x5] =	wrdreg $0x9  }
0xb2: {  	_ =	task.clear_ibuf [dreg:s7], $0x6FFFF;
	_ =	strace $0x90000046  }
0xb3: {  	s29 =	simm.s32 $0x9;
	_ =	strace $0x80000048  }
0xb4: {  	_ =	swait.ge [sflag:s29], $0x1  }
0xb5: {  	[sflag:s29] =	ssyncadd.s32 $0xFFFFFFFF  }
0xb6: {  	_ =	strace $0x90000048  }
0xb7: {  	_ =	sfence  }
0xb8: {  	s30 =	sld [smem:$0x0];
	_ =	sdelay $0x2  }
0xb9: {  	s31 =	sshll.u32 s1, $0xD;
	s1 =	sshrl.u32 s1, $0x2  }
0xba: {  	s3 =	sand.u32 $0x4000, s31;
	s1 =	sadd.s32 s1, s30  }
0xbb: {  	s0 =	sor.u32 s3, s0;
	s1 =	sshll.u32 s1, $0x11  }
0xbc: {  	s0 =	sor.u32 s1, s0  }
0xbd: {  	s0 =	sadd.s32 $0x8F2B, s0  }
0xbe: {  	[sflag:s0] =	ssyncadd.remote.s32 $0x1  }
0xbf: {  	_ =	sfence.sel $0xFFFF  }
0xc0: {  	[dreg:$0x0] =	wrdreg $0xFFFFFFFF;
	(pc) =	sbr.abs _section_cstart, $3  }
0xc1: {  	[dreg:$0x1] =	wrdreg $0xFFFFFFFF  }
0xc2: {  	_ =	task.clear_ibuf [dreg:s7], $0x2FFFF;
	_ =	strace $0x9FFFFFFF  }
0xc3: {  	(tm) =	ssettm $0x7FFFFFFF  }
tec
execute0_lowered:
.L_overlay_start_1:
0x0: {  	(tag) =	ssettag $0x1  }
0x1: {  	s0 =	rddreg [dreg:$0x0];
	s1 =	srdreg.scid  }
0x2: {  	s9 =	stileid.u32;
	s3 =	rddreg [dreg:$0x1]  }
0x3: {  	s2 =	rddreg [dreg:$0x2];
	s4 =	smul.u32 $0x5000, s9  }
0x4: {  	s7 =	simm.s32 $0x0;
	s1 =	sand.u32 $0x1, s1;
	s26 =	smul.u32 $0x18B00, s9  }
0x5: {  	s12 =	simm.s32 $0xB;
	s13 =	simm.s32 $0x80;
	s5 =	smul.u32 $0x2800, s1  }
0x6: {  	s30 =	simm.s32 $0x0;
	[smem:$0x7FF] =	sst s7;
	s6 =	smul.u32 $0x30D40, s1  }
0x7: {  	s29 =	sshll.u32 s9, $0x6;
	s25 =	smul.u32 $0x18B00, s1;
	s1 =	ssub.s32 $0x2, s1  }
0x8: {  	_ =	strace $0x80000047;
	s28 =	sshrl.u32 s1, $0x1;
	s8 =	sshrl.u32 s26, $0x1  }
0x9: {  	s14 =	sshrl.u32 s26, $0x4;
	s4 =	sadd.s32 s5, s4;
	s6 =	sadd.s32 s6, s0  }
0xa: {  	s1 =	ssub.s32 s1, s28;
	s11 =	sadd.s32 s8, s2;
	s3 =	sadd.s32 s3, s14  }
0xb: {  	s4 =	sshrl.u32 s4, $0x3;
	[dreg:$0x5] =	wrdreg s3;
	s6 =	sadd.s32 $0xA00, s6  }
0xc: {  	s3 =	sor.u32 $0x1C0B, s29;
	s1 =	smax.u32 s1, $0x1;
	s11 =	sshrl.u32 s11, $0x3  }
0xd: {  	s4 =	sadd.s32 s4, s0;
	s0 =	sadd.s32 s25, s0;
	[dreg:$0x4] =	wrdreg s6  }
0xe: {  	[dreg:$0x6] =	wrdreg s1;
	s0 =	sadd.s32 $0x8A600, s0;
	s31 =	sadd.s32 $0x80600, s4  }
0xf: {  	s8 =	sadd.s32 $0x76600, s4;
	[dreg:$0x7] =	wrdreg s31;
	s0 =	sadd.s32 s14, s0  }
0x10: {  	s9 =	sadd.s32 $0x62600, s4;
	s10 =	sadd.s32 $0x6C600, s4;
	[dreg:$0x8] =	wrdreg s0  }
.LBB2_1:
0x11: {  	s0 =	rddreg [dreg:$0x5]  }
0x12: {  	[spmem:s11], [sflag:s3] =	dma.local [hbm:s0], $0x18B0  }
0x13: {  	s5 =	simm.s32 $0x0;
	_ =	swait.ge [sflag:s12], $0x18B0  }
0x14: {  	s23 =	sand.u32 $0xF, s5;
	[sflag:s12] =	ssyncset.done $0x0  }
0x15: {  	p0 =	sne.s32 s23, $0x0;
	[sflag:s12] =	ssyncadd.s32 $0xFFFFE750  }
0x16: {  	s1 =	simm.s32 @!p0 $0x0;
	s4 =	simm.s32 @!p0 $0xB;
	[bflag:$0x0] =	sbarrier.arrive $0xFFFF  }
0x17: {  	[tilespmem:s1], [sflag:$0xB] =	stream.linear.gather @!p0 [hbm4b:s10+s1], $0x800, $0x38;
	[tilespmem:$0x1B280] =	vst v63  }
0x18: {  	_ =	swait.ge @!p0 [sflag:s4], $0x800  }
0x19: {  	[sflag:s4] =	ssyncset.done @!p0 $0x0  }
0x1a: {  	s7 =	smov.u32 s3;
	s3 =	simm.s32 @!p0 $0x800;
	[sflag:s4] =	ssyncadd.s32 @!p0 $0xFFFFF800  }
0x1b: {  	[tilespmem:s3], [sflag:$0xB] =	stream.linear.gather @!p0 [hbm4b:s9+s1], $0x800, $0x38;
	[tilespmem:$0x1B280] =	vst v63  }
0x1c: {  	s24 =	smul.u32 $0xCD, s5;
	_ =	swait.ge @!p0 [sflag:s4], $0x800  }
0x1d: {  	[sflag:s4] =	ssyncset.done @!p0 $0x0  }
0x1e: {  	s6 =	simm.s32 @!p0 $0x1000;
	s3 =	sshrl.u32 s24, $0xA;
	[sflag:s4] =	ssyncadd.s32 @!p0 $0xFFFFF800  }
0x1f: {  	[tilespmem:s6], [sflag:$0xB] =	stream.linear.gather @!p0 [hbm4b:s8+s1], $0x800, $0x38;
	[tilespmem:$0x1B280] =	vst v63  }
0x20: {  	s3 =	sand.u32 $0x3F, s3;
	_ =	swait.ge @!p0 [sflag:s4], $0x800  }
0x21: {  	s3 =	smul.u32 $0x5, s3;
	[sflag:s4] =	ssyncset.done @!p0 $0x0  }
0x22: {  	s6 =	simm.s32 @!p0 $0x1800;
	s5 =	rddreg [dreg:$0x7];
	[sflag:s4] =	ssyncadd.s32 @!p0 $0xFFFFF800  }
0x23: {  	[tilespmem:s6], [sflag:$0xB] =	stream.linear.gather @!p0 [hbm4b:s5+s1], $0x800, $0x38;
	[tilespmem:$0x1B280] =	vst v63  }
0x24: {  	s25 =	ssub.s32 $0x0, s3;
	_ =	swait.ge @!p0 [sflag:s4], $0x800  }
0x25: {  	p1 =	por $0x1, $0x1;
	s3 =	sand.u32 $0xFF, s25;
	[sflag:s4] =	ssyncset.done @!p0 $0x0  }
0x26: {  	s1 =	sadd.s32 @!p1 $0x6, s3;
	[sflag:s4] =	ssyncadd.s32 @!p0 $0xFFFFF800  }
0x27: {  	_ =	swait.ge @!p1 [sflag:s1], $0x2800  }
0x28: {  	[sflag:s1] =	ssyncset.done @!p1 $0x0  }
0x29: {  	s0 =	sshll.u32 s23, $0x7;
	[sflag:s1] =	ssyncadd.s32 @!p1 $0xFFFFD800  }
0x2a: {  	v0 =	vld [tilespmem:s0+$0x1800]  }
0x2b: {  	v1 =	vld [tilespmem:s0+$0x1000];
	_ =	sdelay $0x2  }
0x2c: {  	v2 =	vld [tilespmem:s0+$0x800]  }
0x2d: {  	vm0 =	vlt.f32 v0, $3.000000120e-01  }
0x2e: {  	v0 =	vnsel vm0, $0x0, v1  }
0x2f: {  	v3 =	vld [tilespmem:s0+$0x0];
	v4 =	vsub.s32 $0x1, v0  }
0x30: {  	v1 =	vmul.u32 v4, v1  }
0x31: {  	v0 =	vmul.u32 $0x2710, v0;
	v2 =	vmul.u32 v2, v4  }
0x32: {  	v1 =	vmul.u32 $0x2710, v1  }
0x33: {  	s26 =	sshll.u32 s3, $0x7;
	v0 =	vadd.s32 v0, v2  }
0x34: {  	[tilespmem:s26+$0x2280] =	vst v0;
	v1 =	vadd.s32 v3, v1  }
0x35: {  	[tilespmem:s26+$0x2000] =	vst v1  }
0x36: {  	v0 =	vld [tilespmem:s0+$0x1810]  }
0x37: {  	v1 =	vld [tilespmem:s0+$0x1010];
	_ =	sdelay $0x2  }
0x38: {  	v34 =	vld [tilespmem:s0+$0x810]  }
0x39: {  	vm9 =	vlt.f32 v0, $3.000000120e-01  }
0x3a: {  	v0 =	vnsel vm9, $0x0, v1  }
0x3b: {  	v35 =	vld [tilespmem:s0+$0x10];
	v36 =	vsub.s32 $0x1, v0  }
0x3c: {  	v1 =	vmul.u32 v36, v1  }
0x3d: {  	v0 =	vmul.u32 $0x2710, v0;
	v2 =	vmul.u32 v34, v36  }
0x3e: {  	v1 =	vmul.u32 $0x2710, v1  }
0x3f: {  	v0 =	vadd.s32 v0, v2  }
0x40: {  	[tilespmem:s26+$0x2290] =	vst v0;
	v1 =	vadd.s32 v35, v1  }
0x41: {  	[tilespmem:s26+$0x2010] =	vst v1  }
0x42: {  	v0 =	vld [tilespmem:s0+$0x1820]  }
0x43: {  	v1 =	vld [tilespmem:s0+$0x1020];
	_ =	sdelay $0x2  }
0x44: {  	v37 =	vld [tilespmem:s0+$0x820]  }
0x45: {  	vm10 =	vlt.f32 v0, $3.000000120e-01  }
0x46: {  	v0 =	vnsel vm10, $0x0, v1  }
0x47: {  	v38 =	vld [tilespmem:s0+$0x20];
	v39 =	vsub.s32 $0x1, v0  }
0x48: {  	v1 =	vmul.u32 v39, v1  }
0x49: {  	v0 =	vmul.u32 $0x2710, v0;
	v2 =	vmul.u32 v37, v39  }
0x4a: {  	v1 =	vmul.u32 $0x2710, v1  }
0x4b: {  	v0 =	vadd.s32 v0, v2  }
0x4c: {  	[tilespmem:s26+$0x22A0] =	vst v0;
	v1 =	vadd.s32 v38, v1  }
0x4d: {  	[tilespmem:s26+$0x2020] =	vst v1  }
0x4e: {  	v0 =	vld [tilespmem:s0+$0x1830]  }
0x4f: {  	v1 =	vld [tilespmem:s0+$0x1030];
	_ =	sdelay $0x2  }
0x50: {  	v40 =	vld [tilespmem:s0+$0x830]  }
0x51: {  	vm11 =	vlt.f32 v0, $3.000000120e-01  }
0x52: {  	v0 =	vnsel vm11, $0x0, v1  }
0x53: {  	v41 =	vld [tilespmem:s0+$0x30];
	v42 =	vsub.s32 $0x1, v0  }
0x54: {  	v1 =	vmul.u32 v42, v1  }
0x55: {  	v0 =	vmul.u32 $0x2710, v0;
	v2 =	vmul.u32 v40, v42  }
0x56: {  	v1 =	vmul.u32 $0x2710, v1  }
0x57: {  	v0 =	vadd.s32 v0, v2  }
0x58: {  	[tilespmem:s26+$0x22B0] =	vst v0;
	v43 =	vadd.s32 v41, v1  }
0x59: {  	[tilespmem:s26+$0x2030] =	vst v43  }
0x5a: {  	v0 =	vld [tilespmem:s0+$0x1840]  }
0x5b: {  	v44 =	vld [tilespmem:s0+$0x1040];
	_ =	sdelay $0x2  }
0x5c: {  	v45 =	vld [tilespmem:s0+$0x840]  }
0x5d: {  	vm12 =	vlt.f32 v0, $3.000000120e-01  }
0x5e: {  	v0 =	vnsel vm12, $0x0, v44  }
0x5f: {  	v46 =	vld [tilespmem:s0+$0x40];
	v47 =	vsub.s32 $0x1, v0  }
0x60: {  	v1 =	vmul.u32 v47, v44  }
0x61: {  	v0 =	vmul.u32 $0x2710, v0;
	v2 =	vmul.u32 v45, v47  }
0x62: {  	v1 =	vmul.u32 $0x2710, v1  }
0x63: {  	v0 =	vadd.s32 v0, v2  }
0x64: {  	[tilespmem:s26+$0x22C0] =	vst v0;
	v48 =	vadd.s32 v46, v1  }
0x65: {  	[tilespmem:s26+$0x2040] =	vst v48  }
0x66: {  	v0 =	vld [tilespmem:s0+$0x1850]  }
0x67: {  	v49 =	vld [tilespmem:s0+$0x1050];
	_ =	sdelay $0x2  }
0x68: {  	v50 =	vld [tilespmem:s0+$0x850]  }
0x69: {  	vm13 =	vlt.f32 v0, $3.000000120e-01  }
0x6a: {  	v0 =	vnsel vm13, $0x0, v49  }
0x6b: {  	v51 =	vld [tilespmem:s0+$0x50];
	v52 =	vsub.s32 $0x1, v0  }
0x6c: {  	v1 =	vmul.u32 v52, v49  }
0x6d: {  	v0 =	vmul.u32 $0x2710, v0;
	v2 =	vmul.u32 v50, v52  }
0x6e: {  	v1 =	vmul.u32 $0x2710, v1  }
0x6f: {  	v0 =	vadd.s32 v0, v2  }
0x70: {  	[tilespmem:s26+$0x22D0] =	vst v0;
	v53 =	vadd.s32 v51, v1  }
0x71: {  	[tilespmem:s26+$0x2050] =	vst v53  }
0x72: {  	v0 =	vld [tilespmem:s0+$0x1860]  }
0x73: {  	v54 =	vld [tilespmem:s0+$0x1060];
	_ =	sdelay $0x2  }
0x74: {  	v55 =	vld [tilespmem:s0+$0x860]  }
0x75: {  	vm14 =	vlt.f32 v0, $3.000000120e-01  }
0x76: {  	v0 =	vnsel vm14, $0x0, v54  }
0x77: {  	v56 =	vld [tilespmem:s0+$0x60];
	v57 =	vsub.s32 $0x1, v0  }
0x78: {  	v1 =	vmul.u32 v57, v54  }
0x79: {  	v0 =	vmul.u32 $0x2710, v0;
	v2 =	vmul.u32 v55, v57  }
0x7a: {  	p1 =	por $0x1, $0x1;
	v1 =	vmul.u32 $0x2710, v1  }
0x7b: {  	s1 =	simm.s32 @!p1 $0xFFFFFFFD;
	v0 =	vadd.s32 v0, v2  }
0x7c: {  	p0 =	por $0x1, $0x1;
	s1 =	sand.u32 @!p1 $0xFF, s1;
	[tilespmem:s26+$0x22E0] =	vst v0;
	v58 =	vadd.s32 v56, v1  }
0x7d: {  	s4 =	simm.s32 @!p0 $0xFFFFFFFE;
	s1 =	smul.u32 @!p1 $0xCD, s1;
	[tilespmem:s26+$0x2060] =	vst v58  }
0x7e: {  	s4 =	sand.u32 @!p0 $0xFF, s4;
	v0 =	vld [tilespmem:s0+$0x1870]  }
0x7f: {  	s4 =	smul.u32 @!p0 $0xCD, s4;
	s1 =	sshrl.u32 @!p1 s1, $0xA;
	v59 =	vld [tilespmem:s0+$0x1070]  }
0x80: {  	s1 =	smul.u32 @!p1 $0x5, s1  }
0x81: {  	s18 =	simm.s32 $0x1;
	s28 =	smul.u32 $0xA000, s3;
	s4 =	sshrl.u32 @!p0 s4, $0xA  }
0x82: {  	s19 =	simm.s32 $0x2;
	s4 =	smul.u32 @!p0 $0x5, s4;
	s1 =	ssub.s32 @!p1 $0xFFFFFFFD, s1;
	v60 =	vld [tilespmem:s0+$0x870]  }
0x83: {  	s23 =	sshrl.u32 s28, $0x2;
	s6 =	sadd.s32 $0x2000, s26;
	s21 =	sand.u32 @!p1 $0xFF, s1;
	vm15 =	vlt.f32 v0, $3.000000120e-01  }
0x84: {  	s3 =	sadd.s32 $0x1, s3;
	s4 =	ssub.s32 @!p0 $0xFFFFFFFE, s4;
	s1 =	smul.u32 @!p1 $0xA000, s21;
	v0 =	vnsel vm15, $0x0, v59  }
0x85: {  	s29 =	sadd.s32 $0x2500, s23;
	s22 =	simm.s32 @!p1 $0x80;
	s16 =	sand.u32 @!p0 $0xFF, s4;
	v61 =	vld [tilespmem:s0+$0x70];
	v62 =	vsub.s32 $0x1, v0  }
0x86: {  	s4 =	sshll.u32 @!p1 s21, $0x7;
	s17 =	sadd.s32 @!p1 $0x6, s21;
	s1 =	sshrl.u32 @!p1 s1, $0x2;
	v1 =	vmul.u32 v62, v59  }
0x87: {  	s20 =	sadd.s32 @!p1 $0x2280, s4;
	s14 =	sadd.s32 @!p1 $0x2500, s1;
	p1 =	por p1, p1;
	v0 =	vmul.u32 $0x2710, v0;
	v2 =	vmul.u32 v60, v62  }
0x88: {  	s31 =	simm.s32 @!p0 $0x80;
	s15 =	smul.u32 @!p0 $0xA000, s16;
	p2 =	por p1, p1;
	v1 =	vmul.u32 $0x2710, v1  }
0x89: {  	s25 =	rddreg [dreg:$0x4];
	s4 =	sadd.s32 $0x10, s10;
	s24 =	sadd.s32 @!p2 $0x1, s21;
	v0 =	vadd.s32 v0, v2  }
0x8a: {  	s21 =	sadd.s32 $0x10, s5;
	s0 =	sshrl.u32 @!p0 s15, $0x2;
	s15 =	sshll.u32 @!p0 s16, $0x7;
	[tilespmem:s26+$0x22F0] =	vst v0;
	v63 =	vadd.s32 v61, v1  }
0x8b: {  	s1 =	sadd.s32 @!p0 $0x2500, s0;
	s0 =	sadd.s32 @!p0 $0x6, s16;
	s15 =	sadd.s32 @!p0 $0x2280, s15;
	[tilespmem:s26+$0x2070] =	vst v63  }
0x8c: {  	[tilespmem:s29], [sflag:s3] =	stream.indirect.gather [hbm4b:s25+s13], $0x50, s6, s13, $0xb8;
	[tilespmem:$0x1B280] =	vst v63  }
0x8d: {  	p0 =	por p0, p0;
	s3 =	sadd.s32 $0x10, s8;
	_ =	swait.ge @!p2 [sflag:s24], $0x2800  }
0x8e: {  	s6 =	sadd.s32 $0x10, s9;
	s25 =	sand.u32 $0xF, s18;
	[sflag:s24] =	ssyncset.done @!p2 $0x0  }
.LBB2_2:
0x8f: {  	p4 =	sne.s32 s25, $0x0;
	[sflag:s24] =	ssyncadd.s32 @!p2 $0xFFFFD800;
	s28 =	smov.u32 s19  }
0x90: {  	[spmem:s2] =	stream.indirect.scatter.add.bf16 @!p2 [tilespmem:s14], [sflag:s17], $0x50, s20, s22, $0xb8;
	[tilespmem:$0x1B280] =	vst v63  }
0x91: {  	p3 =	slt.u32 s28, $0x3;
	s14 =	simm.s32 @!p4 $0x0;
	s17 =	simm.s32 @!p4 $0xB  }
0x92: {  	[tilespmem:s14], [sflag:$0xB] =	stream.linear.gather @!p4 [hbm4b:s4+s14], $0x800, $0x38;
	[tilespmem:$0x1B280] =	vst v63  }
0x93: {  	s24 =	smov.u32 s16;
	s16 =	sadd.s32 @!p3 $0xFFFFFFFD, s28;
	_ =	swait.ge @!p4 [sflag:s17], $0x800  }
0x94: {  	s29 =	smul.u32 $0xCD, s18;
	s22 =	sand.u32 @!p3 $0xFF, s16;
	[sflag:s17] =	ssyncset.done @!p4 $0x0  }
0x95: {  	s23 =	simm.s32 @!p4 $0x800;
	s22 =	smul.u32 @!p3 $0xCD, s22;
	[sflag:s17] =	ssyncadd.s32 @!p4 $0xFFFFF800  }
0x96: {  	[tilespmem:s23], [sflag:$0xB] =	stream.linear.gather @!p4 [hbm4b:s6+s14], $0x800, $0x38;
	[tilespmem:$0x1B280] =	vst v63  }
0x97: {  	s26 =	simm.s32 @!p4 $0x1000;
	s20 =	simm.s32 @!p3 $0x80;
	_ =	swait.ge @!p4 [sflag:s17], $0x800  }
0x98: {  	s23 =	sshrl.u32 @!p3 s22, $0xA;
	s22 =	smov.u32 s31;
	[sflag:s17] =	ssyncset.done @!p4 $0x0  }
0x99: {  	s31 =	smov.u32 s20;
	s20 =	sshrl.u32 s29, $0xA;
	[sflag:s17] =	ssyncadd.s32 @!p4 $0xFFFFF800  }
0x9a: {  	[tilespmem:s26], [sflag:$0xB] =	stream.linear.gather @!p4 [hbm4b:s3+s14], $0x800, $0x38;
	[tilespmem:$0x1B280] =	vst v63  }
0x9b: {  	s23 =	smul.u32 @!p3 $0x5, s23;
	s20 =	sand.u32 $0x3F, s20;
	_ =	swait.ge @!p4 [sflag:s17], $0x800  }
0x9c: {  	s20 =	smul.u32 $0x5, s20;
	[sflag:s17] =	ssyncset.done @!p4 $0x0  }
0x9d: {  	s16 =	ssub.s32 @!p3 s16, s23;
	s23 =	simm.s32 @!p4 $0x1800;
	[sflag:s17] =	ssyncadd.s32 @!p4 $0xFFFFF800  }
0x9e: {  	[tilespmem:s23], [sflag:$0xB] =	stream.linear.gather @!p4 [hbm4b:s21+s14], $0x800, $0x38;
	[tilespmem:$0x1B280] =	vst v63  }
0x9f: {  	s20 =	ssub.s32 s18, s20;
	_ =	swait.ge @!p4 [sflag:s17], $0x800  }
0xa0: {  	p2 =	slt.u32 s18, $0x5;
	s23 =	sand.u32 $0xFF, s20;
	[sflag:s17] =	ssyncset.done @!p4 $0x0  }
0xa1: {  	[sflag:s17] =	ssyncadd.s32 @!p4 $0xFFFFF800;
	s17 =	sadd.s32 @!p2 $0x6, s23  }
0xa2: {  	_ =	swait.ge @!p2 [sflag:s17], $0x2800  }
0xa3: {  	[sflag:s17] =	ssyncset.done @!p2 $0x0  }
0xa4: {  	s26 =	sshll.u32 s25, $0x7;
	[sflag:s17] =	ssyncadd.s32 @!p2 $0xFFFFD800  }
0xa5: {  	v0 =	vld [tilespmem:s26+$0x1800]  }
0xa6: {  	v1 =	vld [tilespmem:s26+$0x1000];
	_ =	sdelay $0x2  }
0xa7: {  	v2 =	vld [tilespmem:s26+$0x800]  }
0xa8: {  	s16 =	sand.u32 @!p3 $0xFF, s16;
	vm0 =	vlt.f32 v0, $3.000000120e-01  }
0xa9: {  	s14 =	smul.u32 @!p3 $0xA000, s16;
	v0 =	vnsel vm0, $0x0, v1  }
0xaa: {  	s5 =	smul.u32 $0xA000, s23;
	v3 =	vld [tilespmem:s26+$0x0];
	v4 =	vsub.s32 $0x1, v0  }
0xab: {  	s14 =	sshrl.u32 @!p3 s14, $0x2;
	v1 =	vmul.u32 v4, v1  }
0xac: {  	s18 =	sshll.u32 @!p3 s16, $0x7;
	s20 =	sadd.s32 @!p3 $0x2500, s14;
	s25 =	sshrl.u32 s5, $0x2;
	v0 =	vmul.u32 $0x2710, v0;
	v2 =	vmul.u32 v2, v4  }
0xad: {  	s5 =	sadd.s32 @!p3 $0x2280, s18;
	s14 =	smov.u32 s1;
	s1 =	smov.u32 s20;
	v1 =	vmul.u32 $0x2710, v1  }
0xae: {  	s20 =	smov.u32 s15;
	s15 =	smov.u32 s5;
	s5 =	sshll.u32 s23, $0x7;
	v0 =	vadd.s32 v0, v2  }
0xaf: {  	[tilespmem:s5+$0x2280] =	vst v0;
	v1 =	vadd.s32 v3, v1  }
0xb0: {  	[tilespmem:s5+$0x2000] =	vst v1  }
0xb1: {  	v0 =	vld [tilespmem:s26+$0x1810]  }
0xb2: {  	v1 =	vld [tilespmem:s26+$0x1010];
	_ =	sdelay $0x2  }
0xb3: {  	v34 =	vld [tilespmem:s26+$0x810]  }
0xb4: {  	vm9 =	vlt.f32 v0, $3.000000120e-01  }
0xb5: {  	v0 =	vnsel vm9, $0x0, v1  }
0xb6: {  	v35 =	vld [tilespmem:s26+$0x10];
	v36 =	vsub.s32 $0x1, v0  }
0xb7: {  	v1 =	vmul.u32 v36, v1  }
0xb8: {  	v0 =	vmul.u32 $0x2710, v0;
	v2 =	vmul.u32 v34, v36  }
0xb9: {  	v1 =	vmul.u32 $0x2710, v1  }
0xba: {  	v0 =	vadd.s32 v0, v2  }
0xbb: {  	[tilespmem:s5+$0x2290] =	vst v0;
	v1 =	vadd.s32 v35, v1  }
0xbc: {  	[tilespmem:s5+$0x2010] =	vst v1  }
0xbd: {  	v0 =	vld [tilespmem:s26+$0x1820]  }
0xbe: {  	v1 =	vld [tilespmem:s26+$0x1020];
	_ =	sdelay $0x2  }
0xbf: {  	v37 =	vld [tilespmem:s26+$0x820]  }
0xc0: {  	vm10 =	vlt.f32 v0, $3.000000120e-01  }
0xc1: {  	v0 =	vnsel vm10, $0x0, v1  }
0xc2: {  	v38 =	vld [tilespmem:s26+$0x20];
	v39 =	vsub.s32 $0x1, v0  }
0xc3: {  	v1 =	vmul.u32 v39, v1  }
0xc4: {  	v0 =	vmul.u32 $0x2710, v0;
	v2 =	vmul.u32 v37, v39  }
0xc5: {  	v1 =	vmul.u32 $0x2710, v1  }
0xc6: {  	v0 =	vadd.s32 v0, v2  }
0xc7: {  	[tilespmem:s5+$0x22A0] =	vst v0;
	v1 =	vadd.s32 v38, v1  }
0xc8: {  	[tilespmem:s5+$0x2020] =	vst v1  }
0xc9: {  	v0 =	vld [tilespmem:s26+$0x1830]  }
0xca: {  	v1 =	vld [tilespmem:s26+$0x1030];
	_ =	sdelay $0x2  }
0xcb: {  	v40 =	vld [tilespmem:s26+$0x830]  }
0xcc: {  	vm11 =	vlt.f32 v0, $3.000000120e-01  }
0xcd: {  	v0 =	vnsel vm11, $0x0, v1  }
0xce: {  	v41 =	vld [tilespmem:s26+$0x30];
	v42 =	vsub.s32 $0x1, v0  }
0xcf: {  	v1 =	vmul.u32 v42, v1  }
0xd0: {  	v0 =	vmul.u32 $0x2710, v0;
	v2 =	vmul.u32 v40, v42  }
0xd1: {  	v1 =	vmul.u32 $0x2710, v1  }
0xd2: {  	v0 =	vadd.s32 v0, v2  }
0xd3: {  	[tilespmem:s5+$0x22B0] =	vst v0;
	v43 =	vadd.s32 v41, v1  }
0xd4: {  	[tilespmem:s5+$0x2030] =	vst v43  }
0xd5: {  	v0 =	vld [tilespmem:s26+$0x1840]  }
0xd6: {  	v44 =	vld [tilespmem:s26+$0x1040];
	_ =	sdelay $0x2  }
0xd7: {  	v45 =	vld [tilespmem:s26+$0x840]  }
0xd8: {  	vm12 =	vlt.f32 v0, $3.000000120e-01  }
0xd9: {  	v0 =	vnsel vm12, $0x0, v44  }
0xda: {  	v46 =	vld [tilespmem:s26+$0x40];
	v47 =	vsub.s32 $0x1, v0  }
0xdb: {  	v1 =	vmul.u32 v47, v44  }
0xdc: {  	v0 =	vmul.u32 $0x2710, v0;
	v2 =	vmul.u32 v45, v47  }
0xdd: {  	v1 =	vmul.u32 $0x2710, v1  }
0xde: {  	v0 =	vadd.s32 v0, v2  }
0xdf: {  	[tilespmem:s5+$0x22C0] =	vst v0;
	v48 =	vadd.s32 v46, v1  }
0xe0: {  	[tilespmem:s5+$0x2040] =	vst v48  }
0xe1: {  	v0 =	vld [tilespmem:s26+$0x1850]  }
0xe2: {  	v49 =	vld [tilespmem:s26+$0x1050];
	_ =	sdelay $0x2  }
0xe3: {  	v50 =	vld [tilespmem:s26+$0x850]  }
0xe4: {  	vm13 =	vlt.f32 v0, $3.000000120e-01  }
0xe5: {  	v0 =	vnsel vm13, $0x0, v49  }
0xe6: {  	v51 =	vld [tilespmem:s26+$0x50];
	v52 =	vsub.s32 $0x1, v0  }
0xe7: {  	v1 =	vmul.u32 v52, v49  }
0xe8: {  	v0 =	vmul.u32 $0x2710, v0;
	v2 =	vmul.u32 v50, v52  }
0xe9: {  	v1 =	vmul.u32 $0x2710, v1  }
0xea: {  	v0 =	vadd.s32 v0, v2  }
0xeb: {  	[tilespmem:s5+$0x22D0] =	vst v0;
	v53 =	vadd.s32 v51, v1  }
0xec: {  	[tilespmem:s5+$0x2050] =	vst v53  }
0xed: {  	v0 =	vld [tilespmem:s26+$0x1860]  }
0xee: {  	v54 =	vld [tilespmem:s26+$0x1060];
	_ =	sdelay $0x2  }
0xef: {  	v55 =	vld [tilespmem:s26+$0x860]  }
0xf0: {  	vm14 =	vlt.f32 v0, $3.000000120e-01  }
0xf1: {  	v0 =	vnsel vm14, $0x0, v54  }
0xf2: {  	v56 =	vld [tilespmem:s26+$0x60];
	v57 =	vsub.s32 $0x1, v0  }
0xf3: {  	v1 =	vmul.u32 v57, v54  }
0xf4: {  	v0 =	vmul.u32 $0x2710, v0;
	v2 =	vmul.u32 v55, v57  }
0xf5: {  	v1 =	vmul.u32 $0x2710, v1  }
0xf6: {  	v0 =	vadd.s32 v0, v2  }
0xf7: {  	[tilespmem:s5+$0x22E0] =	vst v0;
	v58 =	vadd.s32 v56, v1  }
0xf8: {  	[tilespmem:s5+$0x2060] =	vst v58  }
0xf9: {  	v0 =	vld [tilespmem:s26+$0x1870]  }
0xfa: {  	v59 =	vld [tilespmem:s26+$0x1070];
	_ =	sdelay $0x2  }
0xfb: {  	v60 =	vld [tilespmem:s26+$0x870]  }
0xfc: {  	vm15 =	vlt.f32 v0, $3.000000120e-01  }
0xfd: {  	v0 =	vnsel vm15, $0x0, v59  }
0xfe: {  	v61 =	vld [tilespmem:s26+$0x70];
	v62 =	vsub.s32 $0x1, v0  }
0xff: {  	s19 =	sadd.s32 $0x1, s19;
	v1 =	vmul.u32 v62, v59  }
0x100: {  	p1 =	sne.s32 s19, $0x50;
	s4 =	sadd.s32 $0x10, s4;
	v0 =	vmul.u32 $0x2710, v0;
	v2 =	vmul.u32 v60, v62  }
0x101: {  	s6 =	sadd.s32 $0x10, s6;
	s3 =	sadd.s32 $0x10, s3;
	s29 =	sadd.s32 @!p3 $0x6, s16;
	v1 =	vmul.u32 $0x2710, v1  }
0x102: {  	s25 =	sadd.s32 $0x2500, s25;
	s23 =	sadd.s32 $0x1, s23;
	s17 =	smov.u32 s0;
	v0 =	vadd.s32 v0, v2  }
.Ltmp0:
0x103: {  	s0 =	smov.u32 s29;
	p2 =	por p0, p0;
	[tilespmem:s5+$0x22F0] =	vst v0;
	v63 =	vadd.s32 v61, v1;
	(pc) =	sbr.rel @p1 .LBB2_2-.Ltmp0, $4  }
0x104: {  	s29 =	sadd.s32 $0x2000, s5;
	s24 =	sadd.s32 @!p2 $0x1, s24;
	s26 =	rddreg [dreg:$0x4];
	[tilespmem:s5+$0x2070] =	vst v63  }
0x105: {  	[tilespmem:s25], [sflag:s23] =	stream.indirect.gather [hbm4b:s26+s13], $0x50, s29, s13, $0xb8;
	[tilespmem:$0x1B280] =	vst v63  }
0x106: {  	s21 =	sadd.s32 $0x10, s21;
	s18 =	smov.u32 s28;
	_ =	swait.ge @!p2 [sflag:s24], $0x2800  }
0x107: {  	p0 =	por p3, p3;
	s25 =	sand.u32 $0xF, s18;
	[sflag:s24] =	ssyncset.done @!p2 $0x0  }
0x108: {  	[sflag:s24] =	ssyncadd.s32 @!p2 $0xFFFFD800;
	p1 =	sne.s32 s25, $0x0  }
0x109: {  	[spmem:s2] =	stream.indirect.scatter.add.bf16 @!p2 [tilespmem:s14], [sflag:s17], $0x50, s20, s22, $0xb8;
	[tilespmem:$0x1B280] =	vst v63  }
0x10a: {  	s5 =	simm.s32 @!p1 $0x0;
	s14 =	simm.s32 @!p1 $0xB  }
0x10b: {  	[tilespmem:s5], [sflag:$0xB] =	stream.linear.gather @!p1 [hbm4b:s4+s5], $0x800, $0x38;
	[tilespmem:$0x1B280] =	vst v63  }
0x10c: {  	_ =	swait.ge @!p1 [sflag:s14], $0x800  }
0x10d: {  	[sflag:s14] =	ssyncset.done @!p1 $0x0  }
0x10e: {  	s4 =	simm.s32 @!p1 $0x800;
	[sflag:s14] =	ssyncadd.s32 @!p1 $0xFFFFF800  }
0x10f: {  	[tilespmem:s4], [sflag:$0xB] =	stream.linear.gather @!p1 [hbm4b:s6+s5], $0x800, $0x38;
	[tilespmem:$0x1B280] =	vst v63  }
0x110: {  	_ =	swait.ge @!p1 [sflag:s14], $0x800  }
0x111: {  	[sflag:s14] =	ssyncset.done @!p1 $0x0  }
0x112: {  	s23 =	smul.u32 $0xCD, s18;
	s6 =	simm.s32 @!p1 $0x1000;
	[sflag:s14] =	ssyncadd.s32 @!p1 $0xFFFFF800  }
0x113: {  	[tilespmem:s6], [sflag:$0xB] =	stream.linear.gather @!p1 [hbm4b:s3+s5], $0x800, $0x38;
	[tilespmem:$0x1B280] =	vst v63  }
0x114: {  	s24 =	sshrl.u32 s23, $0xA;
	_ =	swait.ge @!p1 [sflag:s14], $0x800  }
0x115: {  	s3 =	sand.u32 $0x3F, s24;
	[sflag:s14] =	ssyncset.done @!p1 $0x0  }
0x116: {  	s4 =	simm.s32 @!p1 $0x1800;
	s3 =	smul.u32 $0x5, s3;
	[sflag:s14] =	ssyncadd.s32 @!p1 $0xFFFFF800  }
0x117: {  	[tilespmem:s4], [sflag:$0xB] =	stream.linear.gather @!p1 [hbm4b:s21+s5], $0x800, $0x38;
	[tilespmem:$0x1B280] =	vst v63  }
0x118: {  	s3 =	ssub.s32 s18, s3;
	_ =	swait.ge @!p1 [sflag:s14], $0x800  }
0x119: {  	p2 =	slt.u32 s18, $0x5;
	s3 =	sand.u32 $0xFF, s3;
	[sflag:s14] =	ssyncset.done @!p1 $0x0  }
0x11a: {  	s4 =	sadd.s32 @!p2 $0x6, s3;
	[sflag:s14] =	ssyncadd.s32 @!p1 $0xFFFFF800  }
0x11b: {  	_ =	swait.ge @!p2 [sflag:s4], $0x2800  }
0x11c: {  	[sflag:s4] =	ssyncset.done @!p2 $0x0  }
0x11d: {  	s25 =	sshll.u32 s25, $0x7;
	[sflag:s4] =	ssyncadd.s32 @!p2 $0xFFFFD800  }
0x11e: {  	v0 =	vld [tilespmem:s25+$0x1800]  }
0x11f: {  	v1 =	vld [tilespmem:s25+$0x1000];
	_ =	sdelay $0x2  }
0x120: {  	v2 =	vld [tilespmem:s25+$0x800]  }
0x121: {  	vm0 =	vlt.f32 v0, $3.000000120e-01  }
0x122: {  	v0 =	vnsel vm0, $0x0, v1  }
0x123: {  	v3 =	vld [tilespmem:s25+$0x0];
	v4 =	vsub.s32 $0x1, v0  }
0x124: {  	v1 =	vmul.u32 v4, v1  }
0x125: {  	v0 =	vmul.u32 $0x2710, v0;
	v2 =	vmul.u32 v2, v4  }
0x126: {  	v1 =	vmul.u32 $0x2710, v1  }
0x127: {  	s26 =	sshll.u32 s3, $0x7;
	v0 =	vadd.s32 v0, v2  }
0x128: {  	[tilespmem:s26+$0x2280] =	vst v0;
	v1 =	vadd.s32 v3, v1  }
0x129: {  	[tilespmem:s26+$0x2000] =	vst v1  }
0x12a: {  	v0 =	vld [tilespmem:s25+$0x1810]  }
0x12b: {  	v1 =	vld [tilespmem:s25+$0x1010];
	_ =	sdelay $0x2  }
0x12c: {  	v34 =	vld [tilespmem:s25+$0x810]  }
0x12d: {  	vm9 =	vlt.f32 v0, $3.000000120e-01  }
0x12e: {  	v0 =	vnsel vm9, $0x0, v1  }
0x12f: {  	v35 =	vld [tilespmem:s25+$0x10];
	v36 =	vsub.s32 $0x1, v0  }
0x130: {  	v1 =	vmul.u32 v36, v1  }
0x131: {  	v0 =	vmul.u32 $0x2710, v0;
	v2 =	vmul.u32 v34, v36  }
0x132: {  	v1 =	vmul.u32 $0x2710, v1  }
0x133: {  	v0 =	vadd.s32 v0, v2  }
0x134: {  	[tilespmem:s26+$0x2290] =	vst v0;
	v1 =	vadd.s32 v35, v1  }
0x135: {  	[tilespmem:s26+$0x2010] =	vst v1  }
0x136: {  	v0 =	vld [tilespmem:s25+$0x1820]  }
0x137: {  	v1 =	vld [tilespmem:s25+$0x1020];
	_ =	sdelay $0x2  }
0x138: {  	v37 =	vld [tilespmem:s25+$0x820]  }
0x139: {  	vm10 =	vlt.f32 v0, $3.000000120e-01  }
0x13a: {  	v0 =	vnsel vm10, $0x0, v1  }
0x13b: {  	v38 =	vld [tilespmem:s25+$0x20];
	v39 =	vsub.s32 $0x1, v0  }
0x13c: {  	v1 =	vmul.u32 v39, v1  }
0x13d: {  	v0 =	vmul.u32 $0x2710, v0;
	v2 =	vmul.u32 v37, v39  }
0x13e: {  	v1 =	vmul.u32 $0x2710, v1  }
0x13f: {  	v0 =	vadd.s32 v0, v2  }
0x140: {  	[tilespmem:s26+$0x22A0] =	vst v0;
	v1 =	vadd.s32 v38, v1  }
0x141: {  	[tilespmem:s26+$0x2020] =	vst v1  }
0x142: {  	v0 =	vld [tilespmem:s25+$0x1830]  }
0x143: {  	v1 =	vld [tilespmem:s25+$0x1030];
	_ =	sdelay $0x2  }
0x144: {  	v40 =	vld [tilespmem:s25+$0x830]  }
0x145: {  	vm11 =	vlt.f32 v0, $3.000000120e-01  }
0x146: {  	v0 =	vnsel vm11, $0x0, v1  }
0x147: {  	v41 =	vld [tilespmem:s25+$0x30];
	v42 =	vsub.s32 $0x1, v0  }
0x148: {  	v1 =	vmul.u32 v42, v1  }
0x149: {  	v0 =	vmul.u32 $0x2710, v0;
	v2 =	vmul.u32 v40, v42  }
0x14a: {  	v1 =	vmul.u32 $0x2710, v1  }
0x14b: {  	v0 =	vadd.s32 v0, v2  }
0x14c: {  	[tilespmem:s26+$0x22B0] =	vst v0;
	v43 =	vadd.s32 v41, v1  }
0x14d: {  	[tilespmem:s26+$0x2030] =	vst v43  }
0x14e: {  	v0 =	vld [tilespmem:s25+$0x1840]  }
0x14f: {  	v44 =	vld [tilespmem:s25+$0x1040];
	_ =	sdelay $0x2  }
0x150: {  	v45 =	vld [tilespmem:s25+$0x840]  }
0x151: {  	vm12 =	vlt.f32 v0, $3.000000120e-01  }
0x152: {  	v0 =	vnsel vm12, $0x0, v44  }
0x153: {  	v46 =	vld [tilespmem:s25+$0x40];
	v47 =	vsub.s32 $0x1, v0  }
0x154: {  	v1 =	vmul.u32 v47, v44  }
0x155: {  	v0 =	vmul.u32 $0x2710, v0;
	v2 =	vmul.u32 v45, v47  }
0x156: {  	v1 =	vmul.u32 $0x2710, v1  }
0x157: {  	v0 =	vadd.s32 v0, v2  }
0x158: {  	[tilespmem:s26+$0x22C0] =	vst v0;
	v48 =	vadd.s32 v46, v1  }
0x159: {  	[tilespmem:s26+$0x2040] =	vst v48  }
0x15a: {  	v0 =	vld [tilespmem:s25+$0x1850]  }
0x15b: {  	v49 =	vld [tilespmem:s25+$0x1050];
	_ =	sdelay $0x2  }
0x15c: {  	v50 =	vld [tilespmem:s25+$0x850]  }
0x15d: {  	vm13 =	vlt.f32 v0, $3.000000120e-01  }
0x15e: {  	v0 =	vnsel vm13, $0x0, v49  }
0x15f: {  	v51 =	vld [tilespmem:s25+$0x50];
	v52 =	vsub.s32 $0x1, v0  }
0x160: {  	v1 =	vmul.u32 v52, v49  }
0x161: {  	v0 =	vmul.u32 $0x2710, v0;
	v2 =	vmul.u32 v50, v52  }
0x162: {  	v1 =	vmul.u32 $0x2710, v1  }
0x163: {  	v0 =	vadd.s32 v0, v2  }
0x164: {  	[tilespmem:s26+$0x22D0] =	vst v0;
	v53 =	vadd.s32 v51, v1  }
0x165: {  	[tilespmem:s26+$0x2050] =	vst v53  }
0x166: {  	v0 =	vld [tilespmem:s25+$0x1860]  }
0x167: {  	v54 =	vld [tilespmem:s25+$0x1060];
	_ =	sdelay $0x2  }
0x168: {  	v55 =	vld [tilespmem:s25+$0x860]  }
0x169: {  	vm14 =	vlt.f32 v0, $3.000000120e-01  }
0x16a: {  	v0 =	vnsel vm14, $0x0, v54  }
0x16b: {  	v56 =	vld [tilespmem:s25+$0x60];
	v57 =	vsub.s32 $0x1, v0  }
0x16c: {  	v1 =	vmul.u32 v57, v54  }
0x16d: {  	v0 =	vmul.u32 $0x2710, v0;
	v2 =	vmul.u32 v55, v57  }
0x16e: {  	v1 =	vmul.u32 $0x2710, v1  }
0x16f: {  	v0 =	vadd.s32 v0, v2  }
0x170: {  	[tilespmem:s26+$0x22E0] =	vst v0;
	v58 =	vadd.s32 v56, v1  }
0x171: {  	[tilespmem:s26+$0x2060] =	vst v58  }
0x172: {  	v0 =	vld [tilespmem:s25+$0x1870]  }
0x173: {  	v59 =	vld [tilespmem:s25+$0x1070];
	_ =	sdelay $0x2  }
0x174: {  	v60 =	vld [tilespmem:s25+$0x870]  }
0x175: {  	vm15 =	vlt.f32 v0, $3.000000120e-01  }
0x176: {  	v0 =	vnsel vm15, $0x0, v59  }
0x177: {  	v61 =	vld [tilespmem:s25+$0x70];
	v62 =	vsub.s32 $0x1, v0  }
0x178: {  	v1 =	vmul.u32 v62, v59  }
0x179: {  	v0 =	vmul.u32 $0x2710, v0;
	v2 =	vmul.u32 v60, v62  }
0x17a: {  	s28 =	smul.u32 $0xA000, s3;
	v1 =	vmul.u32 $0x2710, v1  }
0x17b: {  	v0 =	vadd.s32 v0, v2  }
0x17c: {  	p0 =	por p0, p0;
	s3 =	sadd.s32 $0x1, s3;
	s4 =	sshrl.u32 s28, $0x2;
	[tilespmem:s26+$0x22F0] =	vst v0;
	v63 =	vadd.s32 v61, v1  }
0x17d: {  	s6 =	sadd.s32 $0x2000, s26;
	s29 =	rddreg [dreg:$0x4];
	s4 =	sadd.s32 $0x2500, s4;
	[tilespmem:s26+$0x2070] =	vst v63  }
0x17e: {  	[tilespmem:s4], [sflag:s3] =	stream.indirect.gather [hbm4b:s29+s13], $0x50, s6, s13, $0xb8;
	[tilespmem:$0x1B280] =	vst v63  }
0x17f: {  	s3 =	sadd.s32 @!p0 $0x1, s16  }
0x180: {  	_ =	swait.ge @!p0 [sflag:s3], $0x2800  }
0x181: {  	[sflag:s3] =	ssyncset.done @!p0 $0x0  }
0x182: {  	s14 =	simm.s32 $0x3;
	[sflag:s3] =	ssyncadd.s32 @!p0 $0xFFFFD800  }
0x183: {  	[spmem:s2] =	stream.indirect.scatter.add.bf16 @!p0 [tilespmem:s1], [sflag:s0], $0x50, s15, s31, $0xb8;
	[tilespmem:$0x1B280] =	vst v63  }
0x184: {  	_ =	swait.ge [sflag:s14], $0x2800  }
0x185: {  	s17 =	simm.s32 $0x4;
	[sflag:s14] =	ssyncset.done $0x0  }
0x186: {  	s16 =	simm.s32 $0x7500;
	s15 =	simm.s32 $0x2380;
	[sflag:s14] =	ssyncadd.s32 $0xFFFFD800  }
0x187: {  	[spmem:s2] =	stream.indirect.scatter.add.bf16 [tilespmem:s16], [sflag:$0x8], $0x50, s15, s13, $0xb8;
	[tilespmem:$0x1B280] =	vst v63  }
0x188: {  	_ =	swait.ge [sflag:s17], $0x2800  }
0x189: {  	s19 =	simm.s32 $0x9D00;
	[sflag:s17] =	ssyncset.done $0x0  }
0x18a: {  	s20 =	simm.s32 $0x5;
	s18 =	simm.s32 $0x2400;
	[sflag:s17] =	ssyncadd.s32 $0xFFFFD800  }
0x18b: {  	[spmem:s2] =	stream.indirect.scatter.add.bf16 [tilespmem:s19], [sflag:$0x9], $0x50, s18, s13, $0xb8;
	[tilespmem:$0x1B280] =	vst v63  }
0x18c: {  	_ =	swait.ge [sflag:s20], $0x2800  }
0x18d: {  	s22 =	simm.s32 $0xC500;
	[sflag:s20] =	ssyncset.done $0x0  }
0x18e: {  	s23 =	simm.s32 $0x6;
	s21 =	simm.s32 $0x2480;
	[sflag:s20] =	ssyncadd.s32 $0xFFFFD800  }
0x18f: {  	[spmem:s2] =	stream.indirect.scatter.add.bf16 [tilespmem:s22], [sflag:$0xA], $0x50, s21, s13, $0xb8;
	[tilespmem:$0x1B280] =	vst v63  }
0x190: {  	_ =	swait.ge [sflag:s23], $0x2800  }
0x191: {  	[sflag:s23] =	ssyncset.done $0x0  }
0x192: {  	s24 =	simm.s32 $0x7;
	[sflag:s23] =	ssyncadd.s32 $0xFFFFD800  }
0x193: {  	_ =	swait.ge [sflag:s24], $0x2800  }
0x194: {  	[sflag:s24] =	ssyncset.done $0x0  }
0x195: {  	s25 =	simm.s32 $0x8;
	[sflag:s24] =	ssyncadd.s32 $0xFFFFD800  }
0x196: {  	_ =	swait.ge [sflag:s25], $0x2800  }
0x197: {  	[sflag:s25] =	ssyncset.done $0x0  }
0x198: {  	s26 =	simm.s32 $0x9;
	[sflag:s25] =	ssyncadd.s32 $0xFFFFD800  }
0x199: {  	_ =	swait.ge [sflag:s26], $0x2800  }
0x19a: {  	[sflag:s26] =	ssyncset.done $0x0  }
0x19b: {  	s28 =	simm.s32 $0xA;
	[sflag:s26] =	ssyncadd.s32 $0xFFFFD800  }
0x19c: {  	_ =	swait.ge [sflag:s28], $0x2800  }
0x19d: {  	[sflag:s28] =	ssyncset.done $0x0  }
0x19e: {  	[sflag:s28] =	ssyncadd.s32 $0xFFFFD800  }
0x19f: {  	[bflag:$0x0] =	sbarrier.arrive $0xFFFF  }
0x1a0: {  	s29 =	rddreg [dreg:$0x8]  }
0x1a1: {  	[hbm:s29], [sflag:s7] =	dma.local [spmem:s11], $0x18B0  }
0x1a2: {  	_ =	swait.ge [sflag:s12], $0x18B0  }
0x1a3: {  	s30 =	sadd.s32 $0x1, s30;
	s31 =	rddreg [dreg:$0x6]  }
0x1a4: {  	p0 =	sne.s32 s30, s31  }
.Ltmp1:
0x1a5: {  	_ = 	snop;
	(pc) =	sbr.rel @p0 .LBB2_1-.Ltmp1, $3  }
0x1a6: {  	_ =	sdelay $0x1  }
0x1a7: {  	[sflag:s12] =	ssyncset.done $0x0  }
0x1a8: {  	s3 =	smov.u32 s7;
	[sflag:s12] =	ssyncadd.s32 $0xFFFFE750  }
0x1a9: {  	_ =	sfence.sel $0x180000  }
0x1aa: {  	[bflag:$0x0] =	sbarrier.arrive $0xFFFF  }
0x1ab: {  	_ =	strace $0x90000047  }
0x1ac: {  	s0 =	stileid.u32;
	[bflag:$0x2] =	sbarrier.arrive $0xFFFF  }
0x1ad: {  	p0 =	sne.s32 s0, $0x0;
	s0 =	rddreg [dreg:$0x3]  }
0x1ae: {  	s0 =	sadd.s32 @!p0 $0x100000, s0  }
0x1af: {  	[sflag:s0] =	ssyncadd.tile.s32 @!p0 $0x1;
	_ =	shalt  }
.Lfunc_end2:
_tile_overlayer_lowered:
.L_overlay_start_2:
0x1b0: {  	(tag) =	ssettag $0x2  }
0x1b1: {  	s0 =	rddreg [dreg:$0x0];
	s2 =	stileid.u32  }
0x1b2: {  	s1 =	rddreg [dreg:$0x1];
	p0 =	sne.s32 s2, $0x0  }
0x1b3: {  	s3 =	rddreg [dreg:$0x2];
	[bflag:$0x3] =	sbarrier.arrive $0xFFFF;
	s2 =	simm.s32 @!p0 $0x1C0B  }
0x1b4: {  	[timem:s3], [sflag:s2] =	dma.local @!p0 [hbm:s0], s1  }
0x1b5: {  	s0 =	simm.s32 @!p0 $0xB  }
0x1b6: {  	_ =	swait.ge @!p0 [sflag:s0], s1  }
0x1b7: {  	s1 =	ssub.s32 @!p0 $0x0, s1;
	[sflag:s0] =	ssyncset.done @!p0 $0x0  }
0x1b8: {  	[sflag:s0] =	ssyncadd.s32 @!p0 s1  }
0x1b9: {  	[bflag:$0x3] =	sbarrier.arrive $0xFFFF  }
0x1ba: {  	_ =	shalt  }

</sc_bundles>
